<compile_context>
chip_gen: v7x
topology: tpu7x:2x2x1
jax: 0.10.2.dev20260603
libtpu: 0.0.44.dev20260713+nightly
codegen_flags: <defaults>
</compile_context>

<pallas_src>
import jax
import jax.numpy as jnp
from jax import lax
from jax.experimental import pallas as pl
from jax.experimental.pallas import tpu as pltpu
from jax.experimental.pallas import tpu_sc as plsc

_NUM_OPS = 8
_NUM_ON = 2
_LANES = 16
_TILE = 4096


def _permute(v, perm):
    return lax.gather(
        v,
        perm[:, None],
        lax.GatherDimensionNumbers(
            offset_dims=(), collapsed_slice_dims=(0,), start_index_map=(0,)),
        (1,),
        mode=lax.GatherScatterMode.PROMISE_IN_BOUNDS,
    )


def _allmax(v, ids):
    for s in (1, 2, 4, 8):
        v = jnp.maximum(v, _permute(v, ids ^ s))
    return v


def _allmin(v, ids):
    for s in (1, 2, 4, 8):
        v = jnp.minimum(v, _permute(v, ids ^ s))
    return v


def _argmax_first(p, ids):
    return _allmin(jnp.where(p == _allmax(p, ids), ids, _LANES), ids)


def _sc_routing(lz_hbm, tabs_hbm, sb_hbm,
                lz_v, tabs_v, acc_v, sem1, sem2):
    D = tabs_hbm.shape[0] // (2 * _NUM_OPS)
    span = D // 16
    cid = lax.axis_index("c")
    sid = lax.axis_index("s")
    wid = sid * 2 + cid

    c1 = pltpu.make_async_copy(lz_hbm, lz_v, sem1)
    c2 = pltpu.make_async_copy(tabs_hbm, tabs_v, sem2)
    c1.start()
    c2.start()
    c1.wait()
    p = lz_v[pl.ds(0, _LANES)] + lz_v[pl.ds(_LANES, _LANES)]
    ids = lax.iota(jnp.int32, _LANES)
    i0 = _argmax_first(p, ids)
    p2 = jnp.where(ids == i0, -jnp.inf, p)
    i1 = _argmax_first(p2, ids)
    c2.wait()

    half = (wid >= 16).astype(jnp.int32)
    tab_base = half * (_NUM_OPS * D)
    col0 = (wid - half * 16) * span
    for k in range(span // _LANES):
        a = jnp.zeros((_LANES,), jnp.float32)
        for e in range(_NUM_OPS):
            on_e = (i0 == e) | (i1 == e)
            a = a + jnp.where(
                on_e,
                tabs_v[pl.ds(tab_base + e * D + col0 + k * _LANES, _LANES)],
                0.0)
        acc_v[pl.ds(k * _LANES, _LANES)] = a
    pltpu.sync_copy(acc_v, sb_hbm.at[pl.ds(half * D + col0, span)])


def _apply_kernel(sb_ref, x_ref, out_ref):
    out_ref[...] = x_ref[...] * sb_ref[0:1, :] + sb_ref[1:2, :]


def kernel(x, logits, scales, biases):
    T, D = x.shape
    gkey = jax.random.fold_in(jax.random.key(0), 123)
    u = jax.random.uniform(gkey, logits.shape, minval=1e-20, maxval=1.0)
    z = -jnp.log(-jnp.log(u))

    neg_inf = jnp.float32(-jnp.inf)
    lz = jnp.concatenate([
        jnp.pad(logits, (0, _LANES - _NUM_OPS), constant_values=neg_inf),
        jnp.pad(z, (0, _LANES - _NUM_OPS)),
    ])
    tabs_flat = jnp.concatenate([scales.reshape(-1), biases.reshape(-1)])

    mesh = plsc.VectorSubcoreMesh(core_axis_name="c", subcore_axis_name="s")
    routing = pl.kernel(
        _sc_routing,
        mesh=mesh,
        out_type=jax.ShapeDtypeStruct((2 * D,), jnp.float32),
        scratch_types=[
            pltpu.VMEM((2 * _LANES,), jnp.float32),
            pltpu.VMEM((2 * _NUM_OPS * D,), jnp.float32),
            pltpu.VMEM((D // 16,), jnp.float32),
            pltpu.SemaphoreType.DMA,
            pltpu.SemaphoreType.DMA,
        ],
    )
    sb = routing(lz, tabs_flat).reshape(2, D)

    grid = (T // _TILE,)
    out = pl.pallas_call(
        _apply_kernel,
        grid=grid,
        in_specs=[
            pl.BlockSpec((2, D), lambda i: (0, 0)),
            pl.BlockSpec((_TILE, D), lambda i: (i, 0)),
        ],
        out_specs=pl.BlockSpec((_TILE, D), lambda i: (i, 0)),
        out_shape=jax.ShapeDtypeStruct((T, D), x.dtype),
        compiler_params=pltpu.CompilerParams(
            dimension_semantics=("arbitrary",),
            vmem_limit_bytes=100 * 1024 * 1024,
        ),
    )(sb, x)
    return out

# --- scband reference (transcript-rebuilt; emitter-appended) ---
"""Pipeline reference for scband-binary-mixed-op-63024350101904 (READ-ONLY COPY).

The authoritative reference and input builder live on the scoring server;
editing this copy changes nothing except your own understanding.
"""

import jax, jax.numpy as jnp
import numpy as np

NUM_OPS = 8
NUM_ON = 2
D = 768
T = 32768


def setup_inputs(seed: int = 0) -> dict:
    key = jax.random.key(seed)
    k1, k2, k3, k4 = jax.random.split(key, 4)
    x = jax.random.normal(k1, (T, D), dtype=jnp.float32)
    # architecture logits, init ~ 0.001 * N(0,1) as in the module
    logits = 0.001 * jax.random.normal(k2, (NUM_OPS,), dtype=jnp.float32)
    # each candidate op is an elementwise scale+bias layer: op_e(x) = x * scales[e] + biases[e]
    scales = 1.0 + 0.1 * jax.random.normal(k3, (NUM_OPS, D), dtype=jnp.float32)
    biases = 0.01 * jax.random.normal(k4, (NUM_OPS, D), dtype=jnp.float32)
    return {"x": x, "logits": logits, "scales": scales, "biases": biases}


def reference(x, logits, scales, biases):
    # BinaryMixedOp.stochastic_call with num_eval_samples = NUM_OPS, num_on_samples = NUM_ON
    weights = jax.nn.softmax(logits, axis=-1)
    logw = jnp.log(weights)
    # Gumbel top-k sampling without replacement (st_onehot_categorical)
    gkey = jax.random.fold_in(jax.random.key(0), 123)
    u = jax.random.uniform(gkey, logw.shape, minval=1e-20, maxval=1.0)
    z = -jnp.log(-jnp.log(u))
    _, idx_on = jax.lax.top_k(logw + z, NUM_ON)
    # mask of the "on" operations (one-hot sum)
    mask = jnp.sum(jax.nn.one_hot(idx_on, NUM_OPS, dtype=jnp.float32), axis=0)
    # num_eval_samples == num_ops -> eval indices are all ops (tf.range branch); eval set
    # only matters for the backward pass, forward result is the sum of the ON ops only.
    # evaluate_operations_partially for on indices, then ops_times_mask_binary forward:
    # op_result = reduce_sum(op_results, axis=0)
    s_on = scales[idx_on]  # [NUM_ON, D]
    b_on = biases[idx_on]  # [NUM_ON, D]
    op_results = x[None, :, :] * s_on[:, None, :] + b_on[:, None, :]  # [NUM_ON, T, D]
    out = jnp.sum(op_results, axis=0)  # [T, D]
    return out

if __name__ == "__main__":
    import jax
    _d = setup_inputs()
    print(jax.jit(kernel)(*tuple(_d.values())))

</pallas_src>

<mosaic_0001>
#map = affine_map<(d0, d1) -> (0)>
module attributes {stable_mosaic.version = 14 : i64} {
  func.func @_sc_routing(%arg0: i32, %arg1: i32, %arg2: memref<32xf32, #tpu.memory_space<hbm>>, %arg3: memref<12288xf32, #tpu.memory_space<hbm>>, %arg4: memref<1536xf32, #tpu.memory_space<hbm>>, %arg5: memref<32xf32, #tpu.memory_space<vmem>>, %arg6: memref<12288xf32, #tpu.memory_space<vmem>>, %arg7: memref<48xf32, #tpu.memory_space<vmem>>, %arg8: memref<!tpu.dma_semaphore, #tpu.memory_space<semaphore_mem>>, %arg9: memref<!tpu.dma_semaphore, #tpu.memory_space<semaphore_mem>>) attributes {dimension_semantics = [#tpu.dimension_semantics<core_parallel>, #tpu.dimension_semantics<subcore_parallel>], iteration_bounds = array<i64: 2, 16>, scalar_prefetch = 0 : i64, scratch_operands = 5 : i64, tpu.core_type = #tpu.core_type<sc_vector_subcore>, window_params = [{transform_indices = #map}, {transform_indices = #map}, {transform_indices = #map}]} {
    %mul3A = arith.constant 2 : i32
    %mul3A_0 = arith.muli %arg1, %mul3A : i32
    %add3A = arith.addi %mul3A_0, %arg0 : i32
    tpu.enqueue_dma source(%arg2 : memref<32xf32, #tpu.memory_space<hbm>>) target(%arg5 : memref<32xf32, #tpu.memory_space<vmem>>) target_semaphore(%arg8 : memref<!tpu.dma_semaphore, #tpu.memory_space<semaphore_mem>>)
    tpu.enqueue_dma source(%arg3 : memref<12288xf32, #tpu.memory_space<hbm>>) target(%arg6 : memref<12288xf32, #tpu.memory_space<vmem>>) target_semaphore(%arg9 : memref<!tpu.dma_semaphore, #tpu.memory_space<semaphore_mem>>)
    tpu.wait_dma2 semaphore(%arg8 : memref<!tpu.dma_semaphore, #tpu.memory_space<semaphore_mem>>) src(%arg2 : memref<32xf32, #tpu.memory_space<hbm>>) dst(%arg5 : memref<32xf32, #tpu.memory_space<vmem>>)
    %get3A = arith.constant 0 : index
    %get3A_1 = tpu.vector_load %arg5[%get3A] {strides = array<i32>} : memref<32xf32, #tpu.memory_space<vmem>>, vector<16xf32>,
    %get3A_2 = vector.shape_cast %get3A_1 : vector<16xf32> to vector<16xf32>
    %get3A_3 = arith.constant 16 : index
    %get3A_4 = tpu.vector_load %arg5[%get3A_3] {strides = array<i32>} : memref<32xf32, #tpu.memory_space<vmem>>, vector<16xf32>,
    %get3A_5 = vector.shape_cast %get3A_4 : vector<16xf32> to vector<16xf32>
    %add3A_6 = arith.addf %get3A_2, %get3A_5 : vector<16xf32>
    %iota3A = tpu.iota {dimensions = array<i32: 0>} : vector<16xi32>
    %xor3A = arith.constant 1 : i32
    %xor3A_7 = vector.broadcast %xor3A : i32 to vector<16xi32>
    %xor3A_8 = arith.xori %iota3A, %xor3A_7 : vector<16xi32>
    %broadcast_in_dim3A = vector.shape_cast %xor3A_8 : vector<16xi32> to vector<16x1xi32>
    %gather3A = vector.shape_cast %broadcast_in_dim3A : vector<16x1xi32> to vector<16xi32>
    %gather3A_9 = tpu.dynamic_gather %add3A_6[%gather3A] in [0] : vector<16xf32>, vector<16xi32> -> vector<16xf32>
    %max3A = arith.maximumf %add3A_6, %gather3A_9 : vector<16xf32>
    %xor3A_10 = arith.constant 2 : i32
    %xor3A_11 = vector.broadcast %xor3A_10 : i32 to vector<16xi32>
    %xor3A_12 = arith.xori %iota3A, %xor3A_11 : vector<16xi32>
    %broadcast_in_dim3A_13 = vector.shape_cast %xor3A_12 : vector<16xi32> to vector<16x1xi32>
    %gather3A_14 = vector.shape_cast %broadcast_in_dim3A_13 : vector<16x1xi32> to vector<16xi32>
    %gather3A_15 = tpu.dynamic_gather %max3A[%gather3A_14] in [0] : vector<16xf32>, vector<16xi32> -> vector<16xf32>
    %max3A_16 = arith.maximumf %max3A, %gather3A_15 : vector<16xf32>
    %xor3A_17 = arith.constant 4 : i32
    %xor3A_18 = vector.broadcast %xor3A_17 : i32 to vector<16xi32>
    %xor3A_19 = arith.xori %iota3A, %xor3A_18 : vector<16xi32>
    %broadcast_in_dim3A_20 = vector.shape_cast %xor3A_19 : vector<16xi32> to vector<16x1xi32>
    %gather3A_21 = vector.shape_cast %broadcast_in_dim3A_20 : vector<16x1xi32> to vector<16xi32>
    %gather3A_22 = tpu.dynamic_gather %max3A_16[%gather3A_21] in [0] : vector<16xf32>, vector<16xi32> -> vector<16xf32>
    %max3A_23 = arith.maximumf %max3A_16, %gather3A_22 : vector<16xf32>
    %xor3A_24 = arith.constant 8 : i32
    %xor3A_25 = vector.broadcast %xor3A_24 : i32 to vector<16xi32>
    %xor3A_26 = arith.xori %iota3A, %xor3A_25 : vector<16xi32>
    %broadcast_in_dim3A_27 = vector.shape_cast %xor3A_26 : vector<16xi32> to vector<16x1xi32>
    %gather3A_28 = vector.shape_cast %broadcast_in_dim3A_27 : vector<16x1xi32> to vector<16xi32>
    %gather3A_29 = tpu.dynamic_gather %max3A_23[%gather3A_28] in [0] : vector<16xf32>, vector<16xi32> -> vector<16xf32>
    %max3A_30 = arith.maximumf %max3A_23, %gather3A_29 : vector<16xf32>
    %eq3A = arith.cmpf oeq, %add3A_6, %max3A_30 : vector<16xf32>
    %jit3A = arith.constant 16 : i32
    %broadcast_in_dim3A_31 = vector.broadcast %jit3A : i32 to vector<16xi32>
    %select_n3A = arith.select %eq3A, %iota3A, %broadcast_in_dim3A_31 : vector<16xi1>, vector<16xi32>
    %xor3A_32 = arith.constant 1 : i32
    %xor3A_33 = vector.broadcast %xor3A_32 : i32 to vector<16xi32>
    %xor3A_34 = arith.xori %iota3A, %xor3A_33 : vector<16xi32>
    %broadcast_in_dim3A_35 = vector.shape_cast %xor3A_34 : vector<16xi32> to vector<16x1xi32>
    %gather3A_36 = vector.shape_cast %broadcast_in_dim3A_35 : vector<16x1xi32> to vector<16xi32>
    %gather3A_37 = tpu.dynamic_gather %select_n3A[%gather3A_36] in [0] : vector<16xi32>, vector<16xi32> -> vector<16xi32>
    %min3A = arith.minsi %select_n3A, %gather3A_37 : vector<16xi32>
    %xor3A_38 = arith.constant 2 : i32
    %xor3A_39 = vector.broadcast %xor3A_38 : i32 to vector<16xi32>
    %xor3A_40 = arith.xori %iota3A, %xor3A_39 : vector<16xi32>
    %broadcast_in_dim3A_41 = vector.shape_cast %xor3A_40 : vector<16xi32> to vector<16x1xi32>
    %gather3A_42 = vector.shape_cast %broadcast_in_dim3A_41 : vector<16x1xi32> to vector<16xi32>
    %gather3A_43 = tpu.dynamic_gather %min3A[%gather3A_42] in [0] : vector<16xi32>, vector<16xi32> -> vector<16xi32>
    %min3A_44 = arith.minsi %min3A, %gather3A_43 : vector<16xi32>
    %xor3A_45 = arith.constant 4 : i32
    %xor3A_46 = vector.broadcast %xor3A_45 : i32 to vector<16xi32>
    %xor3A_47 = arith.xori %iota3A, %xor3A_46 : vector<16xi32>
    %broadcast_in_dim3A_48 = vector.shape_cast %xor3A_47 : vector<16xi32> to vector<16x1xi32>
    %gather3A_49 = vector.shape_cast %broadcast_in_dim3A_48 : vector<16x1xi32> to vector<16xi32>
    %gather3A_50 = tpu.dynamic_gather %min3A_44[%gather3A_49] in [0] : vector<16xi32>, vector<16xi32> -> vector<16xi32>
    %min3A_51 = arith.minsi %min3A_44, %gather3A_50 : vector<16xi32>
    %xor3A_52 = arith.constant 8 : i32
    %xor3A_53 = vector.broadcast %xor3A_52 : i32 to vector<16xi32>
    %xor3A_54 = arith.xori %iota3A, %xor3A_53 : vector<16xi32>
    %broadcast_in_dim3A_55 = vector.shape_cast %xor3A_54 : vector<16xi32> to vector<16x1xi32>
    %gather3A_56 = vector.shape_cast %broadcast_in_dim3A_55 : vector<16x1xi32> to vector<16xi32>
    %gather3A_57 = tpu.dynamic_gather %min3A_51[%gather3A_56] in [0] : vector<16xi32>, vector<16xi32> -> vector<16xi32>
    %min3A_58 = arith.minsi %min3A_51, %gather3A_57 : vector<16xi32>
    %eq3A_59 = arith.cmpi eq, %iota3A, %min3A_58 : vector<16xi32>
    %jit3A_60 = arith.constant 0xFF800000 : f32
    %broadcast_in_dim3A_61 = vector.broadcast %jit3A_60 : f32 to vector<16xf32>
    %select_n3A_62 = arith.select %eq3A_59, %broadcast_in_dim3A_61, %add3A_6 : vector<16xi1>, vector<16xf32>
    %xor3A_63 = arith.constant 1 : i32
    %xor3A_64 = vector.broadcast %xor3A_63 : i32 to vector<16xi32>
    %xor3A_65 = arith.xori %iota3A, %xor3A_64 : vector<16xi32>
    %broadcast_in_dim3A_66 = vector.shape_cast %xor3A_65 : vector<16xi32> to vector<16x1xi32>
    %gather3A_67 = vector.shape_cast %broadcast_in_dim3A_66 : vector<16x1xi32> to vector<16xi32>
    %gather3A_68 = tpu.dynamic_gather %select_n3A_62[%gather3A_67] in [0] : vector<16xf32>, vector<16xi32> -> vector<16xf32>
    %max3A_69 = arith.maximumf %select_n3A_62, %gather3A_68 : vector<16xf32>
    %xor3A_70 = arith.constant 2 : i32
    %xor3A_71 = vector.broadcast %xor3A_70 : i32 to vector<16xi32>
    %xor3A_72 = arith.xori %iota3A, %xor3A_71 : vector<16xi32>
    %broadcast_in_dim3A_73 = vector.shape_cast %xor3A_72 : vector<16xi32> to vector<16x1xi32>
    %gather3A_74 = vector.shape_cast %broadcast_in_dim3A_73 : vector<16x1xi32> to vector<16xi32>
    %gather3A_75 = tpu.dynamic_gather %max3A_69[%gather3A_74] in [0] : vector<16xf32>, vector<16xi32> -> vector<16xf32>
    %max3A_76 = arith.maximumf %max3A_69, %gather3A_75 : vector<16xf32>
    %xor3A_77 = arith.constant 4 : i32
    %xor3A_78 = vector.broadcast %xor3A_77 : i32 to vector<16xi32>
    %xor3A_79 = arith.xori %iota3A, %xor3A_78 : vector<16xi32>
    %broadcast_in_dim3A_80 = vector.shape_cast %xor3A_79 : vector<16xi32> to vector<16x1xi32>
    %gather3A_81 = vector.shape_cast %broadcast_in_dim3A_80 : vector<16x1xi32> to vector<16xi32>
    %gather3A_82 = tpu.dynamic_gather %max3A_76[%gather3A_81] in [0] : vector<16xf32>, vector<16xi32> -> vector<16xf32>
    %max3A_83 = arith.maximumf %max3A_76, %gather3A_82 : vector<16xf32>
    %xor3A_84 = arith.constant 8 : i32
    %xor3A_85 = vector.broadcast %xor3A_84 : i32 to vector<16xi32>
    %xor3A_86 = arith.xori %iota3A, %xor3A_85 : vector<16xi32>
    %broadcast_in_dim3A_87 = vector.shape_cast %xor3A_86 : vector<16xi32> to vector<16x1xi32>
    %gather3A_88 = vector.shape_cast %broadcast_in_dim3A_87 : vector<16x1xi32> to vector<16xi32>
    %gather3A_89 = tpu.dynamic_gather %max3A_83[%gather3A_88] in [0] : vector<16xf32>, vector<16xi32> -> vector<16xf32>
    %max3A_90 = arith.maximumf %max3A_83, %gather3A_89 : vector<16xf32>
    %eq3A_91 = arith.cmpf oeq, %select_n3A_62, %max3A_90 : vector<16xf32>
    %jit3A_92 = arith.constant 16 : i32
    %broadcast_in_dim3A_93 = vector.broadcast %jit3A_92 : i32 to vector<16xi32>
    %select_n3A_94 = arith.select %eq3A_91, %iota3A, %broadcast_in_dim3A_93 : vector<16xi1>, vector<16xi32>
    %xor3A_95 = arith.constant 1 : i32
    %xor3A_96 = vector.broadcast %xor3A_95 : i32 to vector<16xi32>
    %xor3A_97 = arith.xori %iota3A, %xor3A_96 : vector<16xi32>
    %broadcast_in_dim3A_98 = vector.shape_cast %xor3A_97 : vector<16xi32> to vector<16x1xi32>
    %gather3A_99 = vector.shape_cast %broadcast_in_dim3A_98 : vector<16x1xi32> to vector<16xi32>
    %gather3A_100 = tpu.dynamic_gather %select_n3A_94[%gather3A_99] in [0] : vector<16xi32>, vector<16xi32> -> vector<16xi32>
    %min3A_101 = arith.minsi %select_n3A_94, %gather3A_100 : vector<16xi32>
    %xor3A_102 = arith.constant 2 : i32
    %xor3A_103 = vector.broadcast %xor3A_102 : i32 to vector<16xi32>
    %xor3A_104 = arith.xori %iota3A, %xor3A_103 : vector<16xi32>
    %broadcast_in_dim3A_105 = vector.shape_cast %xor3A_104 : vector<16xi32> to vector<16x1xi32>
    %gather3A_106 = vector.shape_cast %broadcast_in_dim3A_105 : vector<16x1xi32> to vector<16xi32>
    %gather3A_107 = tpu.dynamic_gather %min3A_101[%gather3A_106] in [0] : vector<16xi32>, vector<16xi32> -> vector<16xi32>
    %min3A_108 = arith.minsi %min3A_101, %gather3A_107 : vector<16xi32>
    %xor3A_109 = arith.constant 4 : i32
    %xor3A_110 = vector.broadcast %xor3A_109 : i32 to vector<16xi32>
    %xor3A_111 = arith.xori %iota3A, %xor3A_110 : vector<16xi32>
    %broadcast_in_dim3A_112 = vector.shape_cast %xor3A_111 : vector<16xi32> to vector<16x1xi32>
    %gather3A_113 = vector.shape_cast %broadcast_in_dim3A_112 : vector<16x1xi32> to vector<16xi32>
    %gather3A_114 = tpu.dynamic_gather %min3A_108[%gather3A_113] in [0] : vector<16xi32>, vector<16xi32> -> vector<16xi32>
    %min3A_115 = arith.minsi %min3A_108, %gather3A_114 : vector<16xi32>
    %xor3A_116 = arith.constant 8 : i32
    %xor3A_117 = vector.broadcast %xor3A_116 : i32 to vector<16xi32>
    %xor3A_118 = arith.xori %iota3A, %xor3A_117 : vector<16xi32>
    %broadcast_in_dim3A_119 = vector.shape_cast %xor3A_118 : vector<16xi32> to vector<16x1xi32>
    %gather3A_120 = vector.shape_cast %broadcast_in_dim3A_119 : vector<16x1xi32> to vector<16xi32>
    %gather3A_121 = tpu.dynamic_gather %min3A_115[%gather3A_120] in [0] : vector<16xi32>, vector<16xi32> -> vector<16xi32>
    %min3A_122 = arith.minsi %min3A_115, %gather3A_121 : vector<16xi32>
    tpu.wait_dma2 semaphore(%arg9 : memref<!tpu.dma_semaphore, #tpu.memory_space<semaphore_mem>>) src(%arg3 : memref<12288xf32, #tpu.memory_space<hbm>>) dst(%arg6 : memref<12288xf32, #tpu.memory_space<vmem>>)
    %ge3A = arith.constant 16 : i32
    %ge3A_123 = arith.cmpi sge, %add3A, %ge3A : i32
    %convert_element_type3A = arith.extui %ge3A_123 : i1 to i32
    %mul3A_124 = arith.constant 6144 : i32
    %mul3A_125 = arith.muli %convert_element_type3A, %mul3A_124 : i32
    %mul3A_126 = arith.constant 16 : i32
    %mul3A_127 = arith.muli %convert_element_type3A, %mul3A_126 : i32
    %sub3A = arith.subi %add3A, %mul3A_127 : i32
    %mul3A_128 = arith.constant 48 : i32
    %mul3A_129 = arith.muli %sub3A, %mul3A_128 : i32
    %broadcast_in_dim3A_130 = arith.constant 0.000000e+00 : f32
    %broadcast_in_dim3A_131 = vector.broadcast %broadcast_in_dim3A_130 : f32 to vector<16xf32>
    %eq3A_132 = arith.constant 0 : i32
    %eq3A_133 = vector.broadcast %eq3A_132 : i32 to vector<16xi32>
    %eq3A_134 = arith.cmpi eq, %min3A_58, %eq3A_133 : vector<16xi32>
    %eq3A_135 = arith.constant 0 : i32
    %eq3A_136 = vector.broadcast %eq3A_135 : i32 to vector<16xi32>
    %eq3A_137 = arith.cmpi eq, %min3A_122, %eq3A_136 : vector<16xi32>
    %or3A = arith.ori %eq3A_134, %eq3A_137 : vector<16xi1>
    %add3A_138 = arith.constant 0 : i32
    %add3A_139 = arith.addi %mul3A_125, %add3A_138 : i32
    %add3A_140 = arith.addi %add3A_139, %mul3A_129 : i32
    %add3A_141 = arith.constant 0 : i32
    %add3A_142 = arith.addi %add3A_140, %add3A_141 : i32
    %get3A_143 = arith.index_cast %add3A_142 : i32 to index
    %get3A_144 = tpu.vector_load %arg6[%get3A_143] {strides = array<i32>} : memref<12288xf32, #tpu.memory_space<vmem>>, vector<16xf32>,
    %get3A_145 = vector.shape_cast %get3A_144 : vector<16xf32> to vector<16xf32>
    %jit3A_146 = arith.constant 0.000000e+00 : f32
    %broadcast_in_dim3A_147 = vector.broadcast %jit3A_146 : f32 to vector<16xf32>
    %select_n3A_148 = arith.select %or3A, %get3A_145, %broadcast_in_dim3A_147 : vector<16xi1>, vector<16xf32>
    %add3A_149 = arith.addf %broadcast_in_dim3A_131, %select_n3A_148 : vector<16xf32>
    %eq3A_150 = arith.constant 1 : i32
    %eq3A_151 = vector.broadcast %eq3A_150 : i32 to vector<16xi32>
    %eq3A_152 = arith.cmpi eq, %min3A_58, %eq3A_151 : vector<16xi32>
    %eq3A_153 = arith.constant 1 : i32
    %eq3A_154 = vector.broadcast %eq3A_153 : i32 to vector<16xi32>
    %eq3A_155 = arith.cmpi eq, %min3A_122, %eq3A_154 : vector<16xi32>
    %or3A_156 = arith.ori %eq3A_152, %eq3A_155 : vector<16xi1>
    %add3A_157 = arith.constant 768 : i32
    %add3A_158 = arith.addi %mul3A_125, %add3A_157 : i32
    %add3A_159 = arith.addi %add3A_158, %mul3A_129 : i32
    %add3A_160 = arith.constant 0 : i32
    %add3A_161 = arith.addi %add3A_159, %add3A_160 : i32
    %get3A_162 = arith.index_cast %add3A_161 : i32 to index
    %get3A_163 = tpu.vector_load %arg6[%get3A_162] {strides = array<i32>} : memref<12288xf32, #tpu.memory_space<vmem>>, vector<16xf32>,
    %get3A_164 = vector.shape_cast %get3A_163 : vector<16xf32> to vector<16xf32>
    %jit3A_165 = arith.constant 0.000000e+00 : f32
    %broadcast_in_dim3A_166 = vector.broadcast %jit3A_165 : f32 to vector<16xf32>
    %select_n3A_167 = arith.select %or3A_156, %get3A_164, %broadcast_in_dim3A_166 : vector<16xi1>, vector<16xf32>
    %add3A_168 = arith.addf %add3A_149, %select_n3A_167 : vector<16xf32>
    %eq3A_169 = arith.constant 2 : i32
    %eq3A_170 = vector.broadcast %eq3A_169 : i32 to vector<16xi32>
    %eq3A_171 = arith.cmpi eq, %min3A_58, %eq3A_170 : vector<16xi32>
    %eq3A_172 = arith.constant 2 : i32
    %eq3A_173 = vector.broadcast %eq3A_172 : i32 to vector<16xi32>
    %eq3A_174 = arith.cmpi eq, %min3A_122, %eq3A_173 : vector<16xi32>
    %or3A_175 = arith.ori %eq3A_171, %eq3A_174 : vector<16xi1>
    %add3A_176 = arith.constant 1536 : i32
    %add3A_177 = arith.addi %mul3A_125, %add3A_176 : i32
    %add3A_178 = arith.addi %add3A_177, %mul3A_129 : i32
    %add3A_179 = arith.constant 0 : i32
    %add3A_180 = arith.addi %add3A_178, %add3A_179 : i32
    %get3A_181 = arith.index_cast %add3A_180 : i32 to index
    %get3A_182 = tpu.vector_load %arg6[%get3A_181] {strides = array<i32>} : memref<12288xf32, #tpu.memory_space<vmem>>, vector<16xf32>,
    %get3A_183 = vector.shape_cast %get3A_182 : vector<16xf32> to vector<16xf32>
    %jit3A_184 = arith.constant 0.000000e+00 : f32
    %broadcast_in_dim3A_185 = vector.broadcast %jit3A_184 : f32 to vector<16xf32>
    %select_n3A_186 = arith.select %or3A_175, %get3A_183, %broadcast_in_dim3A_185 : vector<16xi1>, vector<16xf32>
    %add3A_187 = arith.addf %add3A_168, %select_n3A_186 : vector<16xf32>
    %eq3A_188 = arith.constant 3 : i32
    %eq3A_189 = vector.broadcast %eq3A_188 : i32 to vector<16xi32>
    %eq3A_190 = arith.cmpi eq, %min3A_58, %eq3A_189 : vector<16xi32>
    %eq3A_191 = arith.constant 3 : i32
    %eq3A_192 = vector.broadcast %eq3A_191 : i32 to vector<16xi32>
    %eq3A_193 = arith.cmpi eq, %min3A_122, %eq3A_192 : vector<16xi32>
    %or3A_194 = arith.ori %eq3A_190, %eq3A_193 : vector<16xi1>
    %add3A_195 = arith.constant 2304 : i32
    %add3A_196 = arith.addi %mul3A_125, %add3A_195 : i32
    %add3A_197 = arith.addi %add3A_196, %mul3A_129 : i32
    %add3A_198 = arith.constant 0 : i32
    %add3A_199 = arith.addi %add3A_197, %add3A_198 : i32
    %get3A_200 = arith.index_cast %add3A_199 : i32 to index
    %get3A_201 = tpu.vector_load %arg6[%get3A_200] {strides = array<i32>} : memref<12288xf32, #tpu.memory_space<vmem>>, vector<16xf32>,
    %get3A_202 = vector.shape_cast %get3A_201 : vector<16xf32> to vector<16xf32>
    %jit3A_203 = arith.constant 0.000000e+00 : f32
    %broadcast_in_dim3A_204 = vector.broadcast %jit3A_203 : f32 to vector<16xf32>
    %select_n3A_205 = arith.select %or3A_194, %get3A_202, %broadcast_in_dim3A_204 : vector<16xi1>, vector<16xf32>
    %add3A_206 = arith.addf %add3A_187, %select_n3A_205 : vector<16xf32>
    %eq3A_207 = arith.constant 4 : i32
    %eq3A_208 = vector.broadcast %eq3A_207 : i32 to vector<16xi32>
    %eq3A_209 = arith.cmpi eq, %min3A_58, %eq3A_208 : vector<16xi32>
    %eq3A_210 = arith.constant 4 : i32
    %eq3A_211 = vector.broadcast %eq3A_210 : i32 to vector<16xi32>
    %eq3A_212 = arith.cmpi eq, %min3A_122, %eq3A_211 : vector<16xi32>
    %or3A_213 = arith.ori %eq3A_209, %eq3A_212 : vector<16xi1>
    %add3A_214 = arith.constant 3072 : i32
    %add3A_215 = arith.addi %mul3A_125, %add3A_214 : i32
    %add3A_216 = arith.addi %add3A_215, %mul3A_129 : i32
    %add3A_217 = arith.constant 0 : i32
    %add3A_218 = arith.addi %add3A_216, %add3A_217 : i32
    %get3A_219 = arith.index_cast %add3A_218 : i32 to index
    %get3A_220 = tpu.vector_load %arg6[%get3A_219] {strides = array<i32>} : memref<12288xf32, #tpu.memory_space<vmem>>, vector<16xf32>,
    %get3A_221 = vector.shape_cast %get3A_220 : vector<16xf32> to vector<16xf32>
    %jit3A_222 = arith.constant 0.000000e+00 : f32
    %broadcast_in_dim3A_223 = vector.broadcast %jit3A_222 : f32 to vector<16xf32>
    %select_n3A_224 = arith.select %or3A_213, %get3A_221, %broadcast_in_dim3A_223 : vector<16xi1>, vector<16xf32>
    %add3A_225 = arith.addf %add3A_206, %select_n3A_224 : vector<16xf32>
    %eq3A_226 = arith.constant 5 : i32
    %eq3A_227 = vector.broadcast %eq3A_226 : i32 to vector<16xi32>
    %eq3A_228 = arith.cmpi eq, %min3A_58, %eq3A_227 : vector<16xi32>
    %eq3A_229 = arith.constant 5 : i32
    %eq3A_230 = vector.broadcast %eq3A_229 : i32 to vector<16xi32>
    %eq3A_231 = arith.cmpi eq, %min3A_122, %eq3A_230 : vector<16xi32>
    %or3A_232 = arith.ori %eq3A_228, %eq3A_231 : vector<16xi1>
    %add3A_233 = arith.constant 3840 : i32
    %add3A_234 = arith.addi %mul3A_125, %add3A_233 : i32
    %add3A_235 = arith.addi %add3A_234, %mul3A_129 : i32
    %add3A_236 = arith.constant 0 : i32
    %add3A_237 = arith.addi %add3A_235, %add3A_236 : i32
    %get3A_238 = arith.index_cast %add3A_237 : i32 to index
    %get3A_239 = tpu.vector_load %arg6[%get3A_238] {strides = array<i32>} : memref<12288xf32, #tpu.memory_space<vmem>>, vector<16xf32>,
    %get3A_240 = vector.shape_cast %get3A_239 : vector<16xf32> to vector<16xf32>
    %jit3A_241 = arith.constant 0.000000e+00 : f32
    %broadcast_in_dim3A_242 = vector.broadcast %jit3A_241 : f32 to vector<16xf32>
    %select_n3A_243 = arith.select %or3A_232, %get3A_240, %broadcast_in_dim3A_242 : vector<16xi1>, vector<16xf32>
    %add3A_244 = arith.addf %add3A_225, %select_n3A_243 : vector<16xf32>
    %eq3A_245 = arith.constant 6 : i32
    %eq3A_246 = vector.broadcast %eq3A_245 : i32 to vector<16xi32>
    %eq3A_247 = arith.cmpi eq, %min3A_58, %eq3A_246 : vector<16xi32>
    %eq3A_248 = arith.constant 6 : i32
    %eq3A_249 = vector.broadcast %eq3A_248 : i32 to vector<16xi32>
    %eq3A_250 = arith.cmpi eq, %min3A_122, %eq3A_249 : vector<16xi32>
    %or3A_251 = arith.ori %eq3A_247, %eq3A_250 : vector<16xi1>
    %add3A_252 = arith.constant 4608 : i32
    %add3A_253 = arith.addi %mul3A_125, %add3A_252 : i32
    %add3A_254 = arith.addi %add3A_253, %mul3A_129 : i32
    %add3A_255 = arith.constant 0 : i32
    %add3A_256 = arith.addi %add3A_254, %add3A_255 : i32
    %get3A_257 = arith.index_cast %add3A_256 : i32 to index
    %get3A_258 = tpu.vector_load %arg6[%get3A_257] {strides = array<i32>} : memref<12288xf32, #tpu.memory_space<vmem>>, vector<16xf32>,
    %get3A_259 = vector.shape_cast %get3A_258 : vector<16xf32> to vector<16xf32>
    %jit3A_260 = arith.constant 0.000000e+00 : f32
    %broadcast_in_dim3A_261 = vector.broadcast %jit3A_260 : f32 to vector<16xf32>
    %select_n3A_262 = arith.select %or3A_251, %get3A_259, %broadcast_in_dim3A_261 : vector<16xi1>, vector<16xf32>
    %add3A_263 = arith.addf %add3A_244, %select_n3A_262 : vector<16xf32>
    %eq3A_264 = arith.constant 7 : i32
    %eq3A_265 = vector.broadcast %eq3A_264 : i32 to vector<16xi32>
    %eq3A_266 = arith.cmpi eq, %min3A_58, %eq3A_265 : vector<16xi32>
    %eq3A_267 = arith.constant 7 : i32
    %eq3A_268 = vector.broadcast %eq3A_267 : i32 to vector<16xi32>
    %eq3A_269 = arith.cmpi eq, %min3A_122, %eq3A_268 : vector<16xi32>
    %or3A_270 = arith.ori %eq3A_266, %eq3A_269 : vector<16xi1>
    %add3A_271 = arith.constant 5376 : i32
    %add3A_272 = arith.addi %mul3A_125, %add3A_271 : i32
    %add3A_273 = arith.addi %add3A_272, %mul3A_129 : i32
    %add3A_274 = arith.constant 0 : i32
    %add3A_275 = arith.addi %add3A_273, %add3A_274 : i32
    %get3A_276 = arith.index_cast %add3A_275 : i32 to index
    %get3A_277 = tpu.vector_load %arg6[%get3A_276] {strides = array<i32>} : memref<12288xf32, #tpu.memory_space<vmem>>, vector<16xf32>,
    %get3A_278 = vector.shape_cast %get3A_277 : vector<16xf32> to vector<16xf32>
    %jit3A_279 = arith.constant 0.000000e+00 : f32
    %broadcast_in_dim3A_280 = vector.broadcast %jit3A_279 : f32 to vector<16xf32>
    %select_n3A_281 = arith.select %or3A_270, %get3A_278, %broadcast_in_dim3A_280 : vector<16xi1>, vector<16xf32>
    %add3A_282 = arith.addf %add3A_263, %select_n3A_281 : vector<16xf32>
    %swap3A = arith.constant 0 : index
    %swap3A_283 = tpu.vector_load %arg7[%swap3A] {strides = array<i32>} : memref<48xf32, #tpu.memory_space<vmem>>, vector<16xf32>,
    %swap3A_284 = vector.shape_cast %swap3A_283 : vector<16xf32> to vector<16xf32>
    %swap3A_285 = vector.shape_cast %add3A_282 : vector<16xf32> to vector<16xf32>
    tpu.vector_store %arg7[%swap3A], %swap3A_285 {strides = array<i32>} : memref<48xf32, #tpu.memory_space<vmem>>, vector<16xf32>,
    %broadcast_in_dim3A_286 = arith.constant 0.000000e+00 : f32
    %broadcast_in_dim3A_287 = vector.broadcast %broadcast_in_dim3A_286 : f32 to vector<16xf32>
    %eq3A_288 = arith.constant 0 : i32
    %eq3A_289 = vector.broadcast %eq3A_288 : i32 to vector<16xi32>
    %eq3A_290 = arith.cmpi eq, %min3A_58, %eq3A_289 : vector<16xi32>
    %eq3A_291 = arith.constant 0 : i32
    %eq3A_292 = vector.broadcast %eq3A_291 : i32 to vector<16xi32>
    %eq3A_293 = arith.cmpi eq, %min3A_122, %eq3A_292 : vector<16xi32>
    %or3A_294 = arith.ori %eq3A_290, %eq3A_293 : vector<16xi1>
    %add3A_295 = arith.constant 0 : i32
    %add3A_296 = arith.addi %mul3A_125, %add3A_295 : i32
    %add3A_297 = arith.addi %add3A_296, %mul3A_129 : i32
    %add3A_298 = arith.constant 16 : i32
    %add3A_299 = arith.addi %add3A_297, %add3A_298 : i32
    %get3A_300 = arith.index_cast %add3A_299 : i32 to index
    %get3A_301 = tpu.vector_load %arg6[%get3A_300] {strides = array<i32>} : memref<12288xf32, #tpu.memory_space<vmem>>, vector<16xf32>,
    %get3A_302 = vector.shape_cast %get3A_301 : vector<16xf32> to vector<16xf32>
    %jit3A_303 = arith.constant 0.000000e+00 : f32
    %broadcast_in_dim3A_304 = vector.broadcast %jit3A_303 : f32 to vector<16xf32>
    %select_n3A_305 = arith.select %or3A_294, %get3A_302, %broadcast_in_dim3A_304 : vector<16xi1>, vector<16xf32>
    %add3A_306 = arith.addf %broadcast_in_dim3A_287, %select_n3A_305 : vector<16xf32>
    %eq3A_307 = arith.constant 1 : i32
    %eq3A_308 = vector.broadcast %eq3A_307 : i32 to vector<16xi32>
    %eq3A_309 = arith.cmpi eq, %min3A_58, %eq3A_308 : vector<16xi32>
    %eq3A_310 = arith.constant 1 : i32
    %eq3A_311 = vector.broadcast %eq3A_310 : i32 to vector<16xi32>
    %eq3A_312 = arith.cmpi eq, %min3A_122, %eq3A_311 : vector<16xi32>
    %or3A_313 = arith.ori %eq3A_309, %eq3A_312 : vector<16xi1>
    %add3A_314 = arith.constant 768 : i32
    %add3A_315 = arith.addi %mul3A_125, %add3A_314 : i32
    %add3A_316 = arith.addi %add3A_315, %mul3A_129 : i32
    %add3A_317 = arith.constant 16 : i32
    %add3A_318 = arith.addi %add3A_316, %add3A_317 : i32
    %get3A_319 = arith.index_cast %add3A_318 : i32 to index
    %get3A_320 = tpu.vector_load %arg6[%get3A_319] {strides = array<i32>} : memref<12288xf32, #tpu.memory_space<vmem>>, vector<16xf32>,
    %get3A_321 = vector.shape_cast %get3A_320 : vector<16xf32> to vector<16xf32>
    %jit3A_322 = arith.constant 0.000000e+00 : f32
    %broadcast_in_dim3A_323 = vector.broadcast %jit3A_322 : f32 to vector<16xf32>
    %select_n3A_324 = arith.select %or3A_313, %get3A_321, %broadcast_in_dim3A_323 : vector<16xi1>, vector<16xf32>
    %add3A_325 = arith.addf %add3A_306, %select_n3A_324 : vector<16xf32>
    %eq3A_326 = arith.constant 2 : i32
    %eq3A_327 = vector.broadcast %eq3A_326 : i32 to vector<16xi32>
    %eq3A_328 = arith.cmpi eq, %min3A_58, %eq3A_327 : vector<16xi32>
    %eq3A_329 = arith.constant 2 : i32
    %eq3A_330 = vector.broadcast %eq3A_329 : i32 to vector<16xi32>
    %eq3A_331 = arith.cmpi eq, %min3A_122, %eq3A_330 : vector<16xi32>
    %or3A_332 = arith.ori %eq3A_328, %eq3A_331 : vector<16xi1>
    %add3A_333 = arith.constant 1536 : i32
    %add3A_334 = arith.addi %mul3A_125, %add3A_333 : i32
    %add3A_335 = arith.addi %add3A_334, %mul3A_129 : i32
    %add3A_336 = arith.constant 16 : i32
    %add3A_337 = arith.addi %add3A_335, %add3A_336 : i32
    %get3A_338 = arith.index_cast %add3A_337 : i32 to index
    %get3A_339 = tpu.vector_load %arg6[%get3A_338] {strides = array<i32>} : memref<12288xf32, #tpu.memory_space<vmem>>, vector<16xf32>,
    %get3A_340 = vector.shape_cast %get3A_339 : vector<16xf32> to vector<16xf32>
    %jit3A_341 = arith.constant 0.000000e+00 : f32
    %broadcast_in_dim3A_342 = vector.broadcast %jit3A_341 : f32 to vector<16xf32>
    %select_n3A_343 = arith.select %or3A_332, %get3A_340, %broadcast_in_dim3A_342 : vector<16xi1>, vector<16xf32>
    %add3A_344 = arith.addf %add3A_325, %select_n3A_343 : vector<16xf32>
    %eq3A_345 = arith.constant 3 : i32
    %eq3A_346 = vector.broadcast %eq3A_345 : i32 to vector<16xi32>
    %eq3A_347 = arith.cmpi eq, %min3A_58, %eq3A_346 : vector<16xi32>
    %eq3A_348 = arith.constant 3 : i32
    %eq3A_349 = vector.broadcast %eq3A_348 : i32 to vector<16xi32>
    %eq3A_350 = arith.cmpi eq, %min3A_122, %eq3A_349 : vector<16xi32>
    %or3A_351 = arith.ori %eq3A_347, %eq3A_350 : vector<16xi1>
    %add3A_352 = arith.constant 2304 : i32
    %add3A_353 = arith.addi %mul3A_125, %add3A_352 : i32
    %add3A_354 = arith.addi %add3A_353, %mul3A_129 : i32
    %add3A_355 = arith.constant 16 : i32
    %add3A_356 = arith.addi %add3A_354, %add3A_355 : i32
    %get3A_357 = arith.index_cast %add3A_356 : i32 to index
    %get3A_358 = tpu.vector_load %arg6[%get3A_357] {strides = array<i32>} : memref<12288xf32, #tpu.memory_space<vmem>>, vector<16xf32>,
    %get3A_359 = vector.shape_cast %get3A_358 : vector<16xf32> to vector<16xf32>
    %jit3A_360 = arith.constant 0.000000e+00 : f32
    %broadcast_in_dim3A_361 = vector.broadcast %jit3A_360 : f32 to vector<16xf32>
    %select_n3A_362 = arith.select %or3A_351, %get3A_359, %broadcast_in_dim3A_361 : vector<16xi1>, vector<16xf32>
    %add3A_363 = arith.addf %add3A_344, %select_n3A_362 : vector<16xf32>
    %eq3A_364 = arith.constant 4 : i32
    %eq3A_365 = vector.broadcast %eq3A_364 : i32 to vector<16xi32>
    %eq3A_366 = arith.cmpi eq, %min3A_58, %eq3A_365 : vector<16xi32>
    %eq3A_367 = arith.constant 4 : i32
    %eq3A_368 = vector.broadcast %eq3A_367 : i32 to vector<16xi32>
    %eq3A_369 = arith.cmpi eq, %min3A_122, %eq3A_368 : vector<16xi32>
    %or3A_370 = arith.ori %eq3A_366, %eq3A_369 : vector<16xi1>
    %add3A_371 = arith.constant 3072 : i32
    %add3A_372 = arith.addi %mul3A_125, %add3A_371 : i32
    %add3A_373 = arith.addi %add3A_372, %mul3A_129 : i32
    %add3A_374 = arith.constant 16 : i32
    %add3A_375 = arith.addi %add3A_373, %add3A_374 : i32
    %get3A_376 = arith.index_cast %add3A_375 : i32 to index
    %get3A_377 = tpu.vector_load %arg6[%get3A_376] {strides = array<i32>} : memref<12288xf32, #tpu.memory_space<vmem>>, vector<16xf32>,
    %get3A_378 = vector.shape_cast %get3A_377 : vector<16xf32> to vector<16xf32>
    %jit3A_379 = arith.constant 0.000000e+00 : f32
    %broadcast_in_dim3A_380 = vector.broadcast %jit3A_379 : f32 to vector<16xf32>
    %select_n3A_381 = arith.select %or3A_370, %get3A_378, %broadcast_in_dim3A_380 : vector<16xi1>, vector<16xf32>
    %add3A_382 = arith.addf %add3A_363, %select_n3A_381 : vector<16xf32>
    %eq3A_383 = arith.constant 5 : i32
    %eq3A_384 = vector.broadcast %eq3A_383 : i32 to vector<16xi32>
    %eq3A_385 = arith.cmpi eq, %min3A_58, %eq3A_384 : vector<16xi32>
    %eq3A_386 = arith.constant 5 : i32
    %eq3A_387 = vector.broadcast %eq3A_386 : i32 to vector<16xi32>
    %eq3A_388 = arith.cmpi eq, %min3A_122, %eq3A_387 : vector<16xi32>
    %or3A_389 = arith.ori %eq3A_385, %eq3A_388 : vector<16xi1>
    %add3A_390 = arith.constant 3840 : i32
    %add3A_391 = arith.addi %mul3A_125, %add3A_390 : i32
    %add3A_392 = arith.addi %add3A_391, %mul3A_129 : i32
    %add3A_393 = arith.constant 16 : i32
    %add3A_394 = arith.addi %add3A_392, %add3A_393 : i32
    %get3A_395 = arith.index_cast %add3A_394 : i32 to index
    %get3A_396 = tpu.vector_load %arg6[%get3A_395] {strides = array<i32>} : memref<12288xf32, #tpu.memory_space<vmem>>, vector<16xf32>,
    %get3A_397 = vector.shape_cast %get3A_396 : vector<16xf32> to vector<16xf32>
    %jit3A_398 = arith.constant 0.000000e+00 : f32
    %broadcast_in_dim3A_399 = vector.broadcast %jit3A_398 : f32 to vector<16xf32>
    %select_n3A_400 = arith.select %or3A_389, %get3A_397, %broadcast_in_dim3A_399 : vector<16xi1>, vector<16xf32>
    %add3A_401 = arith.addf %add3A_382, %select_n3A_400 : vector<16xf32>
    %eq3A_402 = arith.constant 6 : i32
    %eq3A_403 = vector.broadcast %eq3A_402 : i32 to vector<16xi32>
    %eq3A_404 = arith.cmpi eq, %min3A_58, %eq3A_403 : vector<16xi32>
    %eq3A_405 = arith.constant 6 : i32
    %eq3A_406 = vector.broadcast %eq3A_405 : i32 to vector<16xi32>
    %eq3A_407 = arith.cmpi eq, %min3A_122, %eq3A_406 : vector<16xi32>
    %or3A_408 = arith.ori %eq3A_404, %eq3A_407 : vector<16xi1>
    %add3A_409 = arith.constant 4608 : i32
    %add3A_410 = arith.addi %mul3A_125, %add3A_409 : i32
    %add3A_411 = arith.addi %add3A_410, %mul3A_129 : i32
    %add3A_412 = arith.constant 16 : i32
    %add3A_413 = arith.addi %add3A_411, %add3A_412 : i32
    %get3A_414 = arith.index_cast %add3A_413 : i32 to index
    %get3A_415 = tpu.vector_load %arg6[%get3A_414] {strides = array<i32>} : memref<12288xf32, #tpu.memory_space<vmem>>, vector<16xf32>,
    %get3A_416 = vector.shape_cast %get3A_415 : vector<16xf32> to vector<16xf32>
    %jit3A_417 = arith.constant 0.000000e+00 : f32
    %broadcast_in_dim3A_418 = vector.broadcast %jit3A_417 : f32 to vector<16xf32>
    %select_n3A_419 = arith.select %or3A_408, %get3A_416, %broadcast_in_dim3A_418 : vector<16xi1>, vector<16xf32>
    %add3A_420 = arith.addf %add3A_401, %select_n3A_419 : vector<16xf32>
    %eq3A_421 = arith.constant 7 : i32
    %eq3A_422 = vector.broadcast %eq3A_421 : i32 to vector<16xi32>
    %eq3A_423 = arith.cmpi eq, %min3A_58, %eq3A_422 : vector<16xi32>
    %eq3A_424 = arith.constant 7 : i32
    %eq3A_425 = vector.broadcast %eq3A_424 : i32 to vector<16xi32>
    %eq3A_426 = arith.cmpi eq, %min3A_122, %eq3A_425 : vector<16xi32>
    %or3A_427 = arith.ori %eq3A_423, %eq3A_426 : vector<16xi1>
    %add3A_428 = arith.constant 5376 : i32
    %add3A_429 = arith.addi %mul3A_125, %add3A_428 : i32
    %add3A_430 = arith.addi %add3A_429, %mul3A_129 : i32
    %add3A_431 = arith.constant 16 : i32
    %add3A_432 = arith.addi %add3A_430, %add3A_431 : i32
    %get3A_433 = arith.index_cast %add3A_432 : i32 to index
    %get3A_434 = tpu.vector_load %arg6[%get3A_433] {strides = array<i32>} : memref<12288xf32, #tpu.memory_space<vmem>>, vector<16xf32>,
    %get3A_435 = vector.shape_cast %get3A_434 : vector<16xf32> to vector<16xf32>
    %jit3A_436 = arith.constant 0.000000e+00 : f32
    %broadcast_in_dim3A_437 = vector.broadcast %jit3A_436 : f32 to vector<16xf32>
    %select_n3A_438 = arith.select %or3A_427, %get3A_435, %broadcast_in_dim3A_437 : vector<16xi1>, vector<16xf32>
    %add3A_439 = arith.addf %add3A_420, %select_n3A_438 : vector<16xf32>
    %swap3A_440 = arith.constant 16 : index
    %swap3A_441 = tpu.vector_load %arg7[%swap3A_440] {strides = array<i32>} : memref<48xf32, #tpu.memory_space<vmem>>, vector<16xf32>,
    %swap3A_442 = vector.shape_cast %swap3A_441 : vector<16xf32> to vector<16xf32>
    %swap3A_443 = vector.shape_cast %add3A_439 : vector<16xf32> to vector<16xf32>
    tpu.vector_store %arg7[%swap3A_440], %swap3A_443 {strides = array<i32>} : memref<48xf32, #tpu.memory_space<vmem>>, vector<16xf32>,
    %broadcast_in_dim3A_444 = arith.constant 0.000000e+00 : f32
    %broadcast_in_dim3A_445 = vector.broadcast %broadcast_in_dim3A_444 : f32 to vector<16xf32>
    %eq3A_446 = arith.constant 0 : i32
    %eq3A_447 = vector.broadcast %eq3A_446 : i32 to vector<16xi32>
    %eq3A_448 = arith.cmpi eq, %min3A_58, %eq3A_447 : vector<16xi32>
    %eq3A_449 = arith.constant 0 : i32
    %eq3A_450 = vector.broadcast %eq3A_449 : i32 to vector<16xi32>
    %eq3A_451 = arith.cmpi eq, %min3A_122, %eq3A_450 : vector<16xi32>
    %or3A_452 = arith.ori %eq3A_448, %eq3A_451 : vector<16xi1>
    %add3A_453 = arith.constant 0 : i32
    %add3A_454 = arith.addi %mul3A_125, %add3A_453 : i32
    %add3A_455 = arith.addi %add3A_454, %mul3A_129 : i32
    %add3A_456 = arith.constant 32 : i32
    %add3A_457 = arith.addi %add3A_455, %add3A_456 : i32
    %get3A_458 = arith.index_cast %add3A_457 : i32 to index
    %get3A_459 = tpu.vector_load %arg6[%get3A_458] {strides = array<i32>} : memref<12288xf32, #tpu.memory_space<vmem>>, vector<16xf32>,
    %get3A_460 = vector.shape_cast %get3A_459 : vector<16xf32> to vector<16xf32>
    %jit3A_461 = arith.constant 0.000000e+00 : f32
    %broadcast_in_dim3A_462 = vector.broadcast %jit3A_461 : f32 to vector<16xf32>
    %select_n3A_463 = arith.select %or3A_452, %get3A_460, %broadcast_in_dim3A_462 : vector<16xi1>, vector<16xf32>
    %add3A_464 = arith.addf %broadcast_in_dim3A_445, %select_n3A_463 : vector<16xf32>
    %eq3A_465 = arith.constant 1 : i32
    %eq3A_466 = vector.broadcast %eq3A_465 : i32 to vector<16xi32>
    %eq3A_467 = arith.cmpi eq, %min3A_58, %eq3A_466 : vector<16xi32>
    %eq3A_468 = arith.constant 1 : i32
    %eq3A_469 = vector.broadcast %eq3A_468 : i32 to vector<16xi32>
    %eq3A_470 = arith.cmpi eq, %min3A_122, %eq3A_469 : vector<16xi32>
    %or3A_471 = arith.ori %eq3A_467, %eq3A_470 : vector<16xi1>
    %add3A_472 = arith.constant 768 : i32
    %add3A_473 = arith.addi %mul3A_125, %add3A_472 : i32
    %add3A_474 = arith.addi %add3A_473, %mul3A_129 : i32
    %add3A_475 = arith.constant 32 : i32
    %add3A_476 = arith.addi %add3A_474, %add3A_475 : i32
    %get3A_477 = arith.index_cast %add3A_476 : i32 to index
    %get3A_478 = tpu.vector_load %arg6[%get3A_477] {strides = array<i32>} : memref<12288xf32, #tpu.memory_space<vmem>>, vector<16xf32>,
    %get3A_479 = vector.shape_cast %get3A_478 : vector<16xf32> to vector<16xf32>
    %jit3A_480 = arith.constant 0.000000e+00 : f32
    %broadcast_in_dim3A_481 = vector.broadcast %jit3A_480 : f32 to vector<16xf32>
    %select_n3A_482 = arith.select %or3A_471, %get3A_479, %broadcast_in_dim3A_481 : vector<16xi1>, vector<16xf32>
    %add3A_483 = arith.addf %add3A_464, %select_n3A_482 : vector<16xf32>
    %eq3A_484 = arith.constant 2 : i32
    %eq3A_485 = vector.broadcast %eq3A_484 : i32 to vector<16xi32>
    %eq3A_486 = arith.cmpi eq, %min3A_58, %eq3A_485 : vector<16xi32>
    %eq3A_487 = arith.constant 2 : i32
    %eq3A_488 = vector.broadcast %eq3A_487 : i32 to vector<16xi32>
    %eq3A_489 = arith.cmpi eq, %min3A_122, %eq3A_488 : vector<16xi32>
    %or3A_490 = arith.ori %eq3A_486, %eq3A_489 : vector<16xi1>
    %add3A_491 = arith.constant 1536 : i32
    %add3A_492 = arith.addi %mul3A_125, %add3A_491 : i32
    %add3A_493 = arith.addi %add3A_492, %mul3A_129 : i32
    %add3A_494 = arith.constant 32 : i32
    %add3A_495 = arith.addi %add3A_493, %add3A_494 : i32
    %get3A_496 = arith.index_cast %add3A_495 : i32 to index
    %get3A_497 = tpu.vector_load %arg6[%get3A_496] {strides = array<i32>} : memref<12288xf32, #tpu.memory_space<vmem>>, vector<16xf32>,
    %get3A_498 = vector.shape_cast %get3A_497 : vector<16xf32> to vector<16xf32>
    %jit3A_499 = arith.constant 0.000000e+00 : f32
    %broadcast_in_dim3A_500 = vector.broadcast %jit3A_499 : f32 to vector<16xf32>
    %select_n3A_501 = arith.select %or3A_490, %get3A_498, %broadcast_in_dim3A_500 : vector<16xi1>, vector<16xf32>
    %add3A_502 = arith.addf %add3A_483, %select_n3A_501 : vector<16xf32>
    %eq3A_503 = arith.constant 3 : i32
    %eq3A_504 = vector.broadcast %eq3A_503 : i32 to vector<16xi32>
    %eq3A_505 = arith.cmpi eq, %min3A_58, %eq3A_504 : vector<16xi32>
    %eq3A_506 = arith.constant 3 : i32
    %eq3A_507 = vector.broadcast %eq3A_506 : i32 to vector<16xi32>
    %eq3A_508 = arith.cmpi eq, %min3A_122, %eq3A_507 : vector<16xi32>
    %or3A_509 = arith.ori %eq3A_505, %eq3A_508 : vector<16xi1>
    %add3A_510 = arith.constant 2304 : i32
    %add3A_511 = arith.addi %mul3A_125, %add3A_510 : i32
    %add3A_512 = arith.addi %add3A_511, %mul3A_129 : i32
    %add3A_513 = arith.constant 32 : i32
    %add3A_514 = arith.addi %add3A_512, %add3A_513 : i32
    %get3A_515 = arith.index_cast %add3A_514 : i32 to index
    %get3A_516 = tpu.vector_load %arg6[%get3A_515] {strides = array<i32>} : memref<12288xf32, #tpu.memory_space<vmem>>, vector<16xf32>,
    %get3A_517 = vector.shape_cast %get3A_516 : vector<16xf32> to vector<16xf32>
    %jit3A_518 = arith.constant 0.000000e+00 : f32
    %broadcast_in_dim3A_519 = vector.broadcast %jit3A_518 : f32 to vector<16xf32>
    %select_n3A_520 = arith.select %or3A_509, %get3A_517, %broadcast_in_dim3A_519 : vector<16xi1>, vector<16xf32>
    %add3A_521 = arith.addf %add3A_502, %select_n3A_520 : vector<16xf32>
    %eq3A_522 = arith.constant 4 : i32
    %eq3A_523 = vector.broadcast %eq3A_522 : i32 to vector<16xi32>
    %eq3A_524 = arith.cmpi eq, %min3A_58, %eq3A_523 : vector<16xi32>
    %eq3A_525 = arith.constant 4 : i32
    %eq3A_526 = vector.broadcast %eq3A_525 : i32 to vector<16xi32>
    %eq3A_527 = arith.cmpi eq, %min3A_122, %eq3A_526 : vector<16xi32>
    %or3A_528 = arith.ori %eq3A_524, %eq3A_527 : vector<16xi1>
    %add3A_529 = arith.constant 3072 : i32
    %add3A_530 = arith.addi %mul3A_125, %add3A_529 : i32
    %add3A_531 = arith.addi %add3A_530, %mul3A_129 : i32
    %add3A_532 = arith.constant 32 : i32
    %add3A_533 = arith.addi %add3A_531, %add3A_532 : i32
    %get3A_534 = arith.index_cast %add3A_533 : i32 to index
    %get3A_535 = tpu.vector_load %arg6[%get3A_534] {strides = array<i32>} : memref<12288xf32, #tpu.memory_space<vmem>>, vector<16xf32>,
    %get3A_536 = vector.shape_cast %get3A_535 : vector<16xf32> to vector<16xf32>
    %jit3A_537 = arith.constant 0.000000e+00 : f32
    %broadcast_in_dim3A_538 = vector.broadcast %jit3A_537 : f32 to vector<16xf32>
    %select_n3A_539 = arith.select %or3A_528, %get3A_536, %broadcast_in_dim3A_538 : vector<16xi1>, vector<16xf32>
    %add3A_540 = arith.addf %add3A_521, %select_n3A_539 : vector<16xf32>
    %eq3A_541 = arith.constant 5 : i32
    %eq3A_542 = vector.broadcast %eq3A_541 : i32 to vector<16xi32>
    %eq3A_543 = arith.cmpi eq, %min3A_58, %eq3A_542 : vector<16xi32>
    %eq3A_544 = arith.constant 5 : i32
    %eq3A_545 = vector.broadcast %eq3A_544 : i32 to vector<16xi32>
    %eq3A_546 = arith.cmpi eq, %min3A_122, %eq3A_545 : vector<16xi32>
    %or3A_547 = arith.ori %eq3A_543, %eq3A_546 : vector<16xi1>
    %add3A_548 = arith.constant 3840 : i32
    %add3A_549 = arith.addi %mul3A_125, %add3A_548 : i32
    %add3A_550 = arith.addi %add3A_549, %mul3A_129 : i32
    %add3A_551 = arith.constant 32 : i32
    %add3A_552 = arith.addi %add3A_550, %add3A_551 : i32
    %get3A_553 = arith.index_cast %add3A_552 : i32 to index
    %get3A_554 = tpu.vector_load %arg6[%get3A_553] {strides = array<i32>} : memref<12288xf32, #tpu.memory_space<vmem>>, vector<16xf32>,
    %get3A_555 = vector.shape_cast %get3A_554 : vector<16xf32> to vector<16xf32>
    %jit3A_556 = arith.constant 0.000000e+00 : f32
    %broadcast_in_dim3A_557 = vector.broadcast %jit3A_556 : f32 to vector<16xf32>
    %select_n3A_558 = arith.select %or3A_547, %get3A_555, %broadcast_in_dim3A_557 : vector<16xi1>, vector<16xf32>
    %add3A_559 = arith.addf %add3A_540, %select_n3A_558 : vector<16xf32>
    %eq3A_560 = arith.constant 6 : i32
    %eq3A_561 = vector.broadcast %eq3A_560 : i32 to vector<16xi32>
    %eq3A_562 = arith.cmpi eq, %min3A_58, %eq3A_561 : vector<16xi32>
    %eq3A_563 = arith.constant 6 : i32
    %eq3A_564 = vector.broadcast %eq3A_563 : i32 to vector<16xi32>
    %eq3A_565 = arith.cmpi eq, %min3A_122, %eq3A_564 : vector<16xi32>
    %or3A_566 = arith.ori %eq3A_562, %eq3A_565 : vector<16xi1>
    %add3A_567 = arith.constant 4608 : i32
    %add3A_568 = arith.addi %mul3A_125, %add3A_567 : i32
    %add3A_569 = arith.addi %add3A_568, %mul3A_129 : i32
    %add3A_570 = arith.constant 32 : i32
    %add3A_571 = arith.addi %add3A_569, %add3A_570 : i32
    %get3A_572 = arith.index_cast %add3A_571 : i32 to index
    %get3A_573 = tpu.vector_load %arg6[%get3A_572] {strides = array<i32>} : memref<12288xf32, #tpu.memory_space<vmem>>, vector<16xf32>,
    %get3A_574 = vector.shape_cast %get3A_573 : vector<16xf32> to vector<16xf32>
    %jit3A_575 = arith.constant 0.000000e+00 : f32
    %broadcast_in_dim3A_576 = vector.broadcast %jit3A_575 : f32 to vector<16xf32>
    %select_n3A_577 = arith.select %or3A_566, %get3A_574, %broadcast_in_dim3A_576 : vector<16xi1>, vector<16xf32>
    %add3A_578 = arith.addf %add3A_559, %select_n3A_577 : vector<16xf32>
    %eq3A_579 = arith.constant 7 : i32
    %eq3A_580 = vector.broadcast %eq3A_579 : i32 to vector<16xi32>
    %eq3A_581 = arith.cmpi eq, %min3A_58, %eq3A_580 : vector<16xi32>
    %eq3A_582 = arith.constant 7 : i32
    %eq3A_583 = vector.broadcast %eq3A_582 : i32 to vector<16xi32>
    %eq3A_584 = arith.cmpi eq, %min3A_122, %eq3A_583 : vector<16xi32>
    %or3A_585 = arith.ori %eq3A_581, %eq3A_584 : vector<16xi1>
    %add3A_586 = arith.constant 5376 : i32
    %add3A_587 = arith.addi %mul3A_125, %add3A_586 : i32
    %add3A_588 = arith.addi %add3A_587, %mul3A_129 : i32
    %add3A_589 = arith.constant 32 : i32
    %add3A_590 = arith.addi %add3A_588, %add3A_589 : i32
    %get3A_591 = arith.index_cast %add3A_590 : i32 to index
    %get3A_592 = tpu.vector_load %arg6[%get3A_591] {strides = array<i32>} : memref<12288xf32, #tpu.memory_space<vmem>>, vector<16xf32>,
    %get3A_593 = vector.shape_cast %get3A_592 : vector<16xf32> to vector<16xf32>
    %jit3A_594 = arith.constant 0.000000e+00 : f32
    %broadcast_in_dim3A_595 = vector.broadcast %jit3A_594 : f32 to vector<16xf32>
    %select_n3A_596 = arith.select %or3A_585, %get3A_593, %broadcast_in_dim3A_595 : vector<16xi1>, vector<16xf32>
    %add3A_597 = arith.addf %add3A_578, %select_n3A_596 : vector<16xf32>
    %swap3A_598 = arith.constant 32 : index
    %swap3A_599 = tpu.vector_load %arg7[%swap3A_598] {strides = array<i32>} : memref<48xf32, #tpu.memory_space<vmem>>, vector<16xf32>,
    %swap3A_600 = vector.shape_cast %swap3A_599 : vector<16xf32> to vector<16xf32>
    %swap3A_601 = vector.shape_cast %add3A_597 : vector<16xf32> to vector<16xf32>
    tpu.vector_store %arg7[%swap3A_598], %swap3A_601 {strides = array<i32>} : memref<48xf32, #tpu.memory_space<vmem>>, vector<16xf32>,
    %mul3A_602 = arith.constant 768 : i32
    %mul3A_603 = arith.muli %convert_element_type3A, %mul3A_602 : i32
    %add3A_604 = arith.addi %mul3A_603, %mul3A_129 : i32
    "tpu.region"() ({
      %run_scoped3A = tpu.sem_alloc : memref<!tpu.dma_semaphore, #tpu.memory_space<semaphore_mem>>
      %dma_start3A = tpu.memref_slice %arg4[%add3A_604] : memref<1536xf32, #tpu.memory_space<hbm>> -> memref<48xf32, #tpu.memory_space<hbm>>
      %dma_start3A_605 = tpu.memref_slice %arg4[%add3A_604] : memref<1536xf32, #tpu.memory_space<hbm>> -> memref<48xf32, #tpu.memory_space<hbm>>
      tpu.enqueue_dma source(%arg7 : memref<48xf32, #tpu.memory_space<vmem>>) target(%dma_start3A_605 : memref<48xf32, #tpu.memory_space<hbm>>) target_semaphore(%run_scoped3A : memref<!tpu.dma_semaphore, #tpu.memory_space<semaphore_mem>>)
      %dma_wait3A = tpu.memref_slice %arg4[%add3A_604] : memref<1536xf32, #tpu.memory_space<hbm>> -> memref<48xf32, #tpu.memory_space<hbm>>
      %dma_wait3A_606 = tpu.memref_slice %arg4[%add3A_604] : memref<1536xf32, #tpu.memory_space<hbm>> -> memref<48xf32, #tpu.memory_space<hbm>>
      tpu.wait_dma2 semaphore(%run_scoped3A : memref<!tpu.dma_semaphore, #tpu.memory_space<semaphore_mem>>) src(%arg7 : memref<48xf32, #tpu.memory_space<vmem>>) dst(%dma_wait3A_606 : memref<48xf32, #tpu.memory_space<hbm>>)
      tpu.yield
    }) : () -> ()
    return
  }
}

module attributes {stable_mosaic.version = 14 : i64} {
  func.func @_apply_kernel(%arg0: i32, %arg1: memref<2x768xf32, #tpu.memory_space<vmem>>, %arg2: memref<4096x768xf32, #tpu.memory_space<vmem>>, %arg3: memref<4096x768xf32, #tpu.memory_space<vmem>>) attributes {dimension_semantics = [#tpu.dimension_semantics<arbitrary>], iteration_bounds = array<i64: 8>, scalar_prefetch = 0 : i64, scratch_operands = 0 : i64, tpu.core_type = #tpu.core_type<tc>, window_params = [{pipeline_mode = #tpu.pipeline_mode<synchronous>, transform_indices = @transform_0, window_bounds = array<i64: 2, 768>}, {transform_indices = @transform_1, window_bounds = array<i64: 4096, 768>}, {transform_indices = @transform_2, window_bounds = array<i64: 4096, 768>}]} {
    %get3A = arith.constant 0 : index
    %get3A_0 = arith.constant 0 : index
    %get3A_1 = vector.load %arg2[%get3A, %get3A_0] : memref<4096x768xf32, #tpu.memory_space<vmem>>, vector<4096x768xf32>
    %get3A_2 = arith.constant 0 : index
    %get3A_3 = arith.constant 0 : index
    %get3A_4 = vector.load %arg1[%get3A_2, %get3A_3] : memref<2x768xf32, #tpu.memory_space<vmem>>, vector<1x768xf32>
    %mul3A = vector.broadcast %get3A_4 : vector<1x768xf32> to vector<4096x768xf32>
    %mul3A_5 = arith.mulf %get3A_1, %mul3A : vector<4096x768xf32>
    %get3A_6 = arith.constant 1 : index
    %get3A_7 = arith.constant 0 : index
    %get3A_8 = vector.load %arg1[%get3A_6, %get3A_7] : memref<2x768xf32, #tpu.memory_space<vmem>>, vector<1x768xf32>
    %add3A = vector.broadcast %get3A_8 : vector<1x768xf32> to vector<4096x768xf32>
    %add3A_9 = arith.addf %mul3A_5, %add3A : vector<4096x768xf32>
    %swap3A = arith.constant 0 : index
    %swap3A_10 = arith.constant 0 : index
    %swap3A_11 = vector.load %arg3[%swap3A, %swap3A_10] : memref<4096x768xf32, #tpu.memory_space<vmem>>, vector<4096x768xf32>
    tpu.vector_store %arg3[%swap3A, %swap3A_10], %add3A_9 {strides = array<i32>} : memref<4096x768xf32, #tpu.memory_space<vmem>>, vector<4096x768xf32>,
    return
  }
  func.func @transform_0(%arg0: i32) -> (i32, i32) {
    %c0_i32 = arith.constant 0 : i32
    %c0_i32_0 = arith.constant 0 : i32
    %c0_i32_1 = arith.constant 0 : i32
    return %c0_i32, %c0_i32_0 : i32, i32
  }
  func.func @transform_1(%arg0: i32) -> (i32, i32) {
    %c0_i32 = arith.constant 0 : i32
    %c0_i32_0 = arith.constant 0 : i32
    return %arg0, %c0_i32 : i32, i32
  }
  func.func @transform_2(%arg0: i32) -> (i32, i32) {
    %c0_i32 = arith.constant 0 : i32
    %c0_i32_0 = arith.constant 0 : i32
    return %arg0, %c0_i32 : i32, i32
  }
}

</mosaic_0001>

<sc_bundles>
// kernel: kernel.6.cloned.1.call-start
scs
__scs_entry_jumppad:
0x0: {  	(pc) =	sbr.rel $0x88, $3  }
0x1: {  	(tag) =	ssettag $0x0;
	lr =	simm.s32 $0x1  }
0x2: {  	[smem:$0x3F9D] =	sst lr;
	_ =	strace $0xD0000000  }
0x3: {  	_ = 	snop  }
0x4: {  	_ = 	snop  }
0x5: {  	_ = 	snop  }
0x6: {  	_ = 	snop  }
0x7: {  	_ = 	snop  }
__scs_overlays_trampoline_lowered:
0x8: {  	[smem:$0x3FAC] =	sst s0  }
0x9: {  	[smem:$0x3FAD] =	sst s1  }
0xa: {  	[smem:$0x3FAE] =	sst s2  }
0xb: {  	[smem:$0x3FAF] =	sst s3  }
0xc: {  	[smem:$0x3FB0] =	sst s4  }
0xd: {  	[smem:$0x3FB1] =	sst s5  }
0xe: {  	[smem:$0x3FB2] =	sst s6  }
0xf: {  	[smem:$0x3FB3] =	sst s7  }
0x10: {  	[smem:$0x3FB4] =	sst s8  }
0x11: {  	[smem:$0x3FB5] =	sst s9;
	s0 =	simm.s32 @!p0 $0x0  }
0x12: {  	s1 =	sld [smem:$0x3F9B];
	s0 =	simm.s32 @p0 $0x1  }
0x13: {  	[smem:$0x3FB6] =	sst s0;
	s0 =	simm.s32 @!p1 $0x0  }
0x14: {  	s2 =	sld [smem:$0x3F9A];
	s0 =	simm.s32 @p1 $0x1  }
0x15: {  	[smem:$0x3FB7] =	sst s0;
	s0 =	simm.s32 @!p2 $0x0  }
0x16: {  	s3 =	sld [smem:$0x3FDB];
	s0 =	simm.s32 @p2 $0x1  }
0x17: {  	s4 =	simm.s32 $0x1BF5;
	[smem:$0x3FB9] =	sst s0  }
0x18: {  	s0 =	sld [smem:$0x3F9C];
	_ =	swait.ge [sflag:s4], $0x0  }
0x19: {  	s7 =	sld [smem:$0x3F9D]  }
0x1a: {  	s8 =	sadd.s32 $0xFFFFE003, lr  }
0x1b: {  	s9 =	sadd.s32 $0xFFFFFEF7, lr;
	s5 =	simm.s32 $0xFFFFFFFF;
	p2 =	slt.u32 s8, $0xFFFFF086  }
0x1c: {  	p1 =	slt.u32 s9, $0xF7A;
	s5 =	simm.s32 @!p2 $0x0  }
0x1d: {  	s5 =	simm.s32 @p1 $0x1;
	p0 =	seq.s32 s7, s2  }
0x1e: {  	s7 =	smul.u32 @!p0 $0xF7A, s2;
	p2 =	seq.s32 @!p0 s5, $0x0  }
0x1f: {  	s9 =	smul.u32 $0xF7A, s1;
	s8 =	simm.s32 @!p0 $0x1BF5;
	p2 =	por !p2, p0  }
0x20: {  	[sflag:s8] =	ssyncset.s32 @!p0 $0xFFFFF086;
	s6 =	sadd.s32 @!p0 s3, s7;
	s7 =	simm.s32 @!p0 $0x108  }
0x21: {  	s3 =	sadd.s32 s3, s9;
	s6 =	sadd.s32 @!p0 $0x88, s6;
	s7 =	simm.s32 @p2 $0x1082  }
0x22: {  	[simem:s7], [sflag:s8] =	dma.local @!p0 [hbm:s6], $0xF7A  }
0x23: {  	s9 =	sor.u32 $0xD0000000, s2;
	s6 =	simm.s32 $0x108;
	_ =	swait.ge @!p0 [sflag:s8], $0x0  }
0x24: {  	s3 =	sadd.s32 $0x88, s3;
	s6 =	simm.s32 @!p1 $0x1082;
	[sflag:s4] =	ssyncset.s32 $0xFFFFF086  }
0x25: {  	[simem:s6], [sflag:s4] =	dma.local [hbm:s3], $0xF7A  }
0x26: {  	[smem:$0x3F9D] =	sst s1;
	(tag) =	ssettag s2;
	_ =	strace s9  }
0x27: {  	s1 =	sld [smem:$0x3FAD]  }
0x28: {  	s2 =	sld [smem:$0x3FAE]  }
0x29: {  	s4 =	sld [smem:$0x3FB0]  }
0x2a: {  	p0 =	seq.s32 s5, $0x0;
	s5 =	sld [smem:$0x3FB1]  }
0x2b: {  	s6 =	sld [smem:$0x3FB2]  }
0x2c: {  	s7 =	sld [smem:$0x3FB3]  }
0x2d: {  	s3 =	simm.s32 $0x108;
	s8 =	sld [smem:$0x3FB4]  }
0x2e: {  	s3 =	simm.s32 @!p0 $0x1082;
	s9 =	sld [smem:$0x3FB5]  }
0x2f: {  	lr =	sadd.s32 s0, s3;
	s0 =	sld [smem:$0x3FAC]  }
0x30: {  	s3 =	sld [smem:$0x3FAF]  }
0x31: {  	[smem:$0x3FB8] =	sst s10  }
0x32: {  	s10 =	sld [smem:$0x3FB6];
	_ =	sdelay $0x3  }
0x33: {  	p0 =	seq.s32 s10, $0x1;
	s10 =	sld [smem:$0x3FB8];
	_ =	sdelay $0x3  }
0x34: {  	[smem:$0x3FB8] =	sst s10  }
0x35: {  	s10 =	sld [smem:$0x3FB7];
	_ =	sdelay $0x3  }
0x36: {  	p1 =	seq.s32 s10, $0x1;
	s10 =	sld [smem:$0x3FB8];
	_ =	sdelay $0x3  }
0x37: {  	[smem:$0x3FB8] =	sst s10  }
0x38: {  	s10 =	sld [smem:$0x3FB9]  }
0x39: {  	_ = 	snop;
	(pc) =	sbr.ind lr, $3  }
0x3a: {  	_ = 	snop  }
0x3b: {  	_ = 	snop  }
0x3c: {  	p2 =	seq.s32 s10, $0x1;
	s10 =	sld [smem:$0x3FB8]  }
0x3d: {  	_ =	shalt  }
0x3e: {  	_ =	shalt  }
0x3f: {  	_ =	shalt  }
0x40: {  	_ =	shalt  }
0x41: {  	_ =	shalt  }
0x42: {  	_ =	shalt  }
0x43: {  	_ =	shalt  }
0x44: {  	_ =	shalt  }
0x45: {  	_ =	shalt  }
0x46: {  	_ =	shalt  }
0x47: {  	_ =	shalt  }
0x48: {  	_ =	shalt  }
0x49: {  	_ =	shalt  }
0x4a: {  	_ =	shalt  }
0x4b: {  	_ =	shalt  }
0x4c: {  	_ =	shalt  }
0x4d: {  	_ =	shalt  }
0x4e: {  	_ =	shalt  }
0x4f: {  	_ =	shalt  }
0x50: {  	_ =	shalt  }
0x51: {  	_ =	shalt  }
0x52: {  	_ =	shalt  }
0x53: {  	_ =	shalt  }
0x54: {  	_ =	shalt  }
0x55: {  	_ =	shalt  }
0x56: {  	_ =	shalt  }
0x57: {  	_ =	shalt  }
0x58: {  	_ =	shalt  }
0x59: {  	_ =	shalt  }
0x5a: {  	_ =	shalt  }
0x5b: {  	_ =	shalt  }
0x5c: {  	_ =	shalt  }
0x5d: {  	_ =	shalt  }
0x5e: {  	_ =	shalt  }
0x5f: {  	_ =	shalt  }
0x60: {  	_ =	shalt  }
0x61: {  	_ =	shalt  }
0x62: {  	_ =	shalt  }
0x63: {  	_ =	shalt  }
0x64: {  	_ =	shalt  }
0x65: {  	_ =	shalt  }
0x66: {  	_ =	shalt  }
0x67: {  	_ =	shalt  }
0x68: {  	_ =	shalt  }
0x69: {  	_ =	shalt  }
0x6a: {  	_ =	shalt  }
0x6b: {  	_ =	shalt  }
0x6c: {  	_ =	shalt  }
0x6d: {  	_ =	shalt  }
0x6e: {  	_ =	shalt  }
0x6f: {  	_ =	shalt  }
0x70: {  	_ =	shalt  }
0x71: {  	_ =	shalt  }
0x72: {  	_ =	shalt  }
0x73: {  	_ =	shalt  }
0x74: {  	_ =	shalt  }
0x75: {  	_ =	shalt  }
0x76: {  	_ =	shalt  }
0x77: {  	_ =	shalt  }
0x78: {  	_ =	shalt  }
0x79: {  	_ =	shalt  }
0x7a: {  	_ =	shalt  }
0x7b: {  	_ =	shalt  }
0x7c: {  	_ =	shalt  }
0x7d: {  	_ =	shalt  }
0x7e: {  	_ =	shalt  }
0x7f: {  	_ =	shalt  }
0x80: {  	_ =	shalt  }
0x81: {  	_ =	shalt  }
0x82: {  	_ =	shalt  }
0x83: {  	_ =	shalt  }
0x84: {  	_ =	shalt  }
0x85: {  	_ =	shalt  }
0x86: {  	_ =	shalt  }
0x87: {  	_ =	shalt  }
.Lfunc_end0:
.L_simem_size_0:
called_computation_lowered:
.L_overlay_start_0:
0x88: {  	s2 =	sld [smem:$0x3FD9]  }
0x89: {  	s3 =	sld [smem:$0x3FFE];
	_ =	sdelay $0x1  }
0x8a: {  	s1 =	srdreg.scid  }
0x8b: {  	s0 =	sand.u32 $0x1, s1  }
0x8c: {  	s17 =	sshll.u32 s0, $0xA;
	s2 =	sadd.s32 s3, s2  }
0x8d: {  	s2 =	sadd.s32 s2, s17  }
0x8e: {  	[smem:$0x3FC4] =	sst s2  }
0x8f: {  	_ = 	snop  }
0x90: {  	s2 =	sld [smem:$0x3FD0];
	(tm) =	ssettm $0x1  }
0x91: {  	s18 =	sld [smem:$0x3FFB];
	_ =	sdelay $0x3  }
0x92: {  	_ =	strace s18  }
0x93: {  	s3 =	sld [smem:$0x3FFC];
	_ =	sdelay $0x3  }
0x94: {  	_ =	strace s3  }
0x95: {  	s3 =	sld [smem:$0x3FFD];
	_ =	sdelay $0x3  }
0x96: {  	_ =	strace s3  }
0x97: {  	_ =	strace $0x8FFFFFFF  }
0x98: {  	s19 =	sld [smem:$0x3FDB];
	_ =	sdelay $0x1  }
0x99: {  	s4 =	simm.s32 $_scs_section_size  }
0x9a: {  	s5 =	simm.s32 $_size__tile_overlayer_lowered;
	s6 =	simm.s32 $_tile_overlayer_lowered  }
0x9b: {  	s22 =	simm.s32 $0x1BFF;
	s21 =	sshll.u32 s6, $0x1;
	s3 =	sadd.s32 s4, s19  }
0x9c: {  	s7 =	simm.s32 $0x0;
	s20 =	sshll.u32 s5, $0x1;
	s5 =	sadd.s32 s21, s3  }
0x9d: {  	[timem:s7], [sflag:s22] =	dma.local [hbm:s5], s20  }
0x9e: {  	_ =	swait.ge [sflag:s22], s20  }
0x9f: {  	s4 =	ssub.s32 $0x0, s20;
	[sflag:s22] =	ssyncset.done $0x0  }
0xa0: {  	[sflag:s22] =	ssyncadd.s32 s4;
	_ =	sdelay $0x1  }
0xa1: {  	s23 =	simm.s32 $0x1B8B  }
0xa2: {  	_ =	swait.ge [sflag:s23], $0x1  }
0xa3: {  	[sflag:s23] =	ssyncset.done $0x0  }
0xa4: {  	s25 =	simm.s32 $0x1B8E;
	s24 =	sld [smem:$0x3FFE];
	[sflag:s23] =	ssyncadd.s32 $0xFFFFFFFF  }
0xa5: {  	s26 =	simm.s32 $execute0_lowered;
	[smem:$0x3FD2] =	sst s25  }
0xa6: {  	s5 =	sshll.u32 s26, $0x1;
	_ =	strace $0x80000046;
	[dreg:$0x1] =	wrdreg $0xFFFFFFFF  }
0xa7: {  	s28 =	simm.s32 $_size_execute0_lowered;
	s3 =	sadd.s32 s3, s5;
	[dreg:$0x0] =	wrdreg $0x0  }
0xa8: {  	s5 =	sshll.u32 s28, $0x1;
	[dreg:$0x2] =	wrdreg s3  }
0xa9: {  	[dreg:$0x3] =	wrdreg s5  }
0xaa: {  	[dreg:$0x4] =	wrdreg $0xC0  }
0xab: {  	_ =	task [dreg:s7], $0x5FFFF  }
0xac: {  	[dreg:$0x1] =	wrdreg $0xFFFFFFFF  }
0xad: {  	[dreg:$0x0] =	wrdreg $0x60  }
0xae: {  	[dreg:$0x2] =	wrdreg s24  }
0xaf: {  	[dreg:$0x3] =	wrdreg s2  }
0xb0: {  	[dreg:$0x4] =	wrdreg $0x9  }
0xb1: {  	_ =	task.clear_ibuf [dreg:s7], $0x5FFFF;
	_ =	strace $0x90000046  }
0xb2: {  	s29 =	simm.s32 $0x9;
	_ =	strace $0x80000048  }
0xb3: {  	_ =	swait.ge [sflag:s29], $0x1  }
0xb4: {  	[sflag:s29] =	ssyncadd.s32 $0xFFFFFFFF  }
0xb5: {  	_ =	strace $0x90000048  }
0xb6: {  	_ =	sfence  }
0xb7: {  	s30 =	sld [smem:$0x0];
	_ =	sdelay $0x2  }
0xb8: {  	s31 =	sshll.u32 s1, $0xD;
	s1 =	sshrl.u32 s1, $0x2  }
0xb9: {  	s3 =	sand.u32 $0x4000, s31;
	s1 =	sadd.s32 s1, s30  }
0xba: {  	s0 =	sor.u32 s3, s0;
	s1 =	sshll.u32 s1, $0x11  }
0xbb: {  	s0 =	sor.u32 s1, s0  }
0xbc: {  	s0 =	sadd.s32 $0x8F2B, s0  }
0xbd: {  	[sflag:s0] =	ssyncadd.remote.s32 $0x1  }
0xbe: {  	_ =	sfence.sel $0xFFFF  }
0xbf: {  	[dreg:$0x0] =	wrdreg $0xFFFFFFFF;
	(pc) =	sbr.abs _section_cstart, $3  }
0xc0: {  	[dreg:$0x1] =	wrdreg $0xFFFFFFFF  }
0xc1: {  	_ =	task.clear_ibuf [dreg:s7], $0x2FFFF;
	_ =	strace $0x9FFFFFFF  }
0xc2: {  	(tm) =	ssettm $0x7FFFFFFF  }
0xc3: {  	_ =	shalt  }
tec
execute0_lowered:
.L_overlay_start_1:
0x0: {  	(tag) =	ssettag $0x1  }
0x1: {  	s24 =	rddreg [dreg:$0x0]  }
0x2: {  	s1 =	rddreg [dreg:$0x1];
	s2 =	simm.s32 $0x0  }
0x3: {  	[smem:$0x7FF] =	sst s2  }
0x4: {  	s0 =	rddreg [dreg:$0x2];
	s3 =	sadd.s32 $0x400, s24;
	_ =	strace $0x80000047  }
0x5: {  	[tilespmem:s2], [sflag:$0x1] =	stream.linear.gather [hbm4b:s3+s2], $0x80, $0x38;
	[tilespmem:$0x3100] =	vst v63  }
0x6: {  	s4 =	simm.s32 $0x80;
	s5 =	simm.s32 $0x1  }
0x7: {  	[tilespmem:s4], [sflag:$0x2] =	stream.linear.gather [hbm4b:s1+s2], $0x3000, $0x38;
	[tilespmem:$0x3100] =	vst v63  }
0x8: {  	_ =	swait.ge [sflag:s5], $0x80  }
0x9: {  	[sflag:s5] =	ssyncset.done $0x0  }
0xa: {  	v0 =	vimm.s32 $0xEFCDAB89;
	v1 =	vimm.s32 $0x67452301;
	[sflag:s5] =	ssyncadd.s32 $0xFFFFFF80  }
0xb: {  	v2 =	vimm.s32 $0xDCFE98BA;
	v3 =	vimm.s32 $0x54761032;
	v0 =	vunpack.c.l.s4.s8 v0;
	v4 =	vld [tilespmem:$0x0]  }
0xc: {  	v1 =	vunpack.c.l.s4.s8 v1;
	v2 =	vunpack.c.l.s4.s8 v2;
	v3 =	vunpack.c.l.s4.s8 v3;
	v5 =	vld [tilespmem:$0x10]  }
0xd: {  	v0 =	vunpack.c.0.s8.s32 v0  }
0xe: {  	v1 =	vunpack.c.0.s8.s32 v1;
	v2 =	vunpack.c.0.s8.s32 v2;
	v3 =	vunpack.c.0.s8.s32 v3;
	_ =	sdelay $0x1  }
0xf: {  	v0 =	vcombine.low v1, v0;
	v1 =	vcombine.low v3, v2  }
0x10: {  	v2 =	vimm.s32 $0xBA98FEDC;
	v3 =	vimm.s32 $0x32107654;
	v5 =	vadd.f32 v5, v4  }
0x11: {  	v2 =	vunpack.c.l.s4.s8 v2;
	v3 =	vunpack.c.l.s4.s8 v3;
	v0 =	vand.u32 $0xF, v0  }
0x12: {  	v6 =	vimm.s32 $0xFEDCBA98;
	v4 =	vperm.xlane v5, v0  }
0x13: {  	v7 =	vimm.s32 $0x76543210;
	v2 =	vunpack.c.0.s8.s32 v2;
	v3 =	vunpack.c.0.s8.s32 v3  }
0x14: {  	v6 =	vunpack.c.l.s4.s8 v6;
	v1 =	vand.u32 $0xF, v1;
	v4 =	vmax.f32 v5, v4  }
0x15: {  	v2 =	vcombine.low v3, v2;
	v3 =	vunpack.c.l.s4.s8 v7;
	v7 =	vperm.xlane v4, v1  }
0x16: {  	v6 =	vunpack.c.0.s8.s32 v6  }
0x17: {  	v2 =	vand.u32 $0xF, v2;
	v3 =	vunpack.c.0.s8.s32 v3;
	v4 =	vmax.f32 v4, v7  }
0x18: {  	v6 =	vand.u32 $0xF, v6;
	v7 =	vperm.xlane v4, v2  }
0x19: {  	v3 =	vcombine.low v6, v3  }
0x1a: {  	v4 =	vmax.f32 v4, v7  }
0x1b: {  	v6 =	vperm.xlane v4, v3;
	_ =	sdelay $0x1  }
0x1c: {  	v6 =	vmax.f32 v4, v6  }
0x1d: {  	v4 =	vlaneseq.u32;
	vm0 =	veq.f32 v5, v6  }
0x1e: {  	v6 =	vnsel vm0, $0x10, v4  }
0x1f: {  	v7 =	vperm.xlane v6, v0;
	_ =	sdelay $0x1  }
0x20: {  	vm0 =	vlt.s32 v6, v7  }
0x21: {  	v6 =	vsel vm0, v6, v7  }
0x22: {  	v7 =	vperm.xlane v6, v1;
	_ =	sdelay $0x1  }
0x23: {  	vm0 =	vlt.s32 v6, v7  }
0x24: {  	v6 =	vsel vm0, v6, v7  }
0x25: {  	v7 =	vperm.xlane v6, v2;
	_ =	sdelay $0x1  }
0x26: {  	vm0 =	vlt.s32 v6, v7  }
0x27: {  	v6 =	vsel vm0, v6, v7  }
0x28: {  	v7 =	vperm.xlane v6, v3;
	_ =	sdelay $0x1  }
0x29: {  	vm0 =	vlt.s32 v6, v7  }
0x2a: {  	v6 =	vsel vm0, v6, v7  }
0x2b: {  	vm0 =	veq.s32 v6, v4  }
0x2c: {  	v5 =	vsel vm0, $0xFF800000, v5  }
0x2d: {  	v7 =	vperm.xlane v5, v0;
	_ =	sdelay $0x1  }
0x2e: {  	v7 =	vmax.f32 v5, v7  }
0x2f: {  	v8 =	vperm.xlane v7, v1;
	_ =	sdelay $0x1  }
0x30: {  	v7 =	vmax.f32 v7, v8  }
0x31: {  	v8 =	vperm.xlane v7, v2;
	_ =	sdelay $0x1  }
0x32: {  	v7 =	vmax.f32 v7, v8  }
0x33: {  	v8 =	vperm.xlane v7, v3;
	_ =	sdelay $0x1  }
0x34: {  	v7 =	vmax.f32 v7, v8  }
0x35: {  	vm0 =	veq.f32 v5, v7  }
0x36: {  	v5 =	vnsel vm0, $0x10, v4  }
0x37: {  	v7 =	vperm.xlane v5, v0;
	_ =	sdelay $0x1  }
0x38: {  	s7 =	srdreg.scid;
	s6 =	stileid.u32;
	s8 =	simm.s32 $0xFFFFFFF0;
	vm0 =	vlt.s32 v5, v7  }
0x39: {  	s25 =	sand.u32 $0x1, s7;
	s31 =	sshll.u32 s6, $0x1;
	p0 =	sgt.u32 s6, $0x7;
	v5 =	vsel vm0, v5, v7  }
0x3a: {  	s7 =	sor.u32 s25, s31;
	s8 =	simm.s32 @!p0 $0x0;
	v7 =	vperm.xlane v5, v1  }
0x3b: {  	s7 =	sadd.s32 s8, s7  }
0x3c: {  	s8 =	simm.s32 $0x1800;
	s26 =	smul.u32 $0x30, s7;
	vm0 =	vlt.s32 v5, v7  }
0x3d: {  	s8 =	simm.s32 @!p0 $0x0;
	s7 =	simm.s32 $0x2;
	v5 =	vsel vm0, v5, v7  }
0x3e: {  	s8 =	sadd.s32 s8, s26;
	_ =	swait.ge [sflag:s7], $0x3000;
	v7 =	vperm.xlane v5, v2  }
0x3f: {  	s23 =	sand.u32 $0x70, s26;
	s9 =	sand.u32 $0xFFFFFF80, s8;
	[sflag:s7] =	ssyncset.done $0x0  }
0x40: {  	s10 =	sadd.s32 $0x300, s8;
	s9 =	sor.u32 s23, s9;
	[sflag:s7] =	ssyncadd.s32 $0xFFFFD000;
	vm0 =	vlt.s32 v5, v7  }
0x41: {  	s11 =	sand.u32 $0xFFFFFF80, s10;
	v50 =	vld [tilespmem:s9+$0x80];
	v5 =	vsel vm0, v5, v7  }
0x42: {  	s12 =	sadd.s32 $0x600, s8;
	s11 =	sor.u32 s23, s11;
	v7 =	vperm.xlane v5, v3  }
0x43: {  	s13 =	sand.u32 $0xFFFFFF80, s12;
	v9 =	vld [tilespmem:s11+$0x80]  }
0x44: {  	s14 =	sadd.s32 $0x900, s8;
	s13 =	sor.u32 s23, s13;
	vm0 =	vlt.s32 v5, v7  }
0x45: {  	s15 =	sand.u32 $0xFFFFFF80, s14;
	v10 =	vld [tilespmem:s13+$0x80];
	vm1 =	veq.s32 v6, $0x1;
	vm8 =	veq.s32 v6, $0x0;
	v5 =	vsel vm0, v5, v7  }
0x46: {  	s16 =	sadd.s32 $0xC00, s8;
	s15 =	sor.u32 s23, s15;
	v7 =	vadd.f32 $0.0e+00, v50;
	vm2 =	veq.s32 v5, $0x0;
	vm3 =	veq.s32 v5, $0x1  }
0x47: {  	s17 =	sand.u32 $0xFFFFFF80, s16;
	v51 =	vld [tilespmem:s15+$0x80];
	vm4 =	veq.s32 v6, $0x2;
	vm0 =	vmor vm8, vm2;
	vm1 =	vmor vm1, vm3  }
0x48: {  	s18 =	sadd.s32 $0xF00, s8;
	s17 =	sor.u32 s23, s17;
	vm9 =	veq.s32 v5, $0x2;
	v7 =	vnsel vm0, $0x0, v7;
	v9 =	vnsel vm1, $0x0, v9  }
0x49: {  	s19 =	sand.u32 $0xFFFFFF80, s18;
	v52 =	vld [tilespmem:s17+$0x80];
	vm2 =	vmor vm4, vm9;
	v7 =	vadd.f32 v9, v7  }
0x4a: {  	s20 =	sadd.s32 $0x1200, s8;
	s19 =	sor.u32 s23, s19;
	vm10 =	veq.s32 v6, $0x3;
	vm11 =	veq.s32 v5, $0x3;
	v10 =	vnsel vm2, $0x0, v10  }
0x4b: {  	s21 =	sand.u32 $0xFFFFFF80, s20;
	v53 =	vld [tilespmem:s19+$0x80];
	vm3 =	vmor vm10, vm11;
	v7 =	vadd.f32 v7, v10  }
0x4c: {  	s22 =	sadd.s32 $0x1500, s8;
	s21 =	sor.u32 s23, s21;
	vm12 =	veq.s32 v6, $0x4;
	vm5 =	veq.s32 v5, $0x4;
	v8 =	vnsel vm3, $0x0, v51  }
0x4d: {  	s28 =	sand.u32 $0xFFFFFF80, s22;
	v54 =	vld [tilespmem:s21+$0x80];
	vm4 =	vmor vm12, vm5;
	v7 =	vadd.f32 v7, v8  }
0x4e: {  	s23 =	sor.u32 s23, s28;
	vm13 =	veq.s32 v6, $0x5;
	vm6 =	veq.s32 v5, $0x5;
	v9 =	vnsel vm4, $0x0, v52  }
0x4f: {  	v55 =	vld [tilespmem:s23+$0x80];
	vm5 =	vmor vm13, vm6;
	v7 =	vadd.f32 v7, v9  }
0x50: {  	vm14 =	veq.s32 v6, $0x6;
	vm7 =	veq.s32 v5, $0x6;
	v10 =	vnsel vm5, $0x0, v53  }
0x51: {  	vm7 =	vmor vm14, vm7;
	v7 =	vadd.f32 v7, v10  }
0x52: {  	vm15 =	veq.s32 v6, $0x7;
	vm8 =	veq.s32 v5, $0x7;
	v5 =	vnsel vm7, $0x0, v54  }
0x53: {  	vm6 =	vmor vm15, vm8;
	v5 =	vadd.f32 v7, v5  }
0x54: {  	v6 =	vnsel vm6, $0x0, v55  }
0x55: {  	v5 =	vadd.f32 v5, v6;
	_ =	sdelay $0x1  }
0x56: {  	[tilespmem:$0x3080] =	vst v5  }
0x57: {  	v5 =	vld [tilespmem:s8+$0x90];
	_ =	sdelay $0x1  }
0x58: {  	v6 =	vld [tilespmem:s10+$0x90];
	_ =	sdelay $0x1  }
0x59: {  	v7 =	vld [tilespmem:s12+$0x90]  }
0x5a: {  	v5 =	vadd.f32 $0.0e+00, v5  }
0x5b: {  	v56 =	vld [tilespmem:s14+$0x90]  }
0x5c: {  	v6 =	vnsel vm1, $0x0, v6;
	v5 =	vnsel vm0, $0x0, v5  }
0x5d: {  	v57 =	vld [tilespmem:s16+$0x90];
	v5 =	vadd.f32 v6, v5  }
0x5e: {  	v6 =	vnsel vm2, $0x0, v7  }
0x5f: {  	v7 =	vld [tilespmem:s18+$0x90];
	v5 =	vadd.f32 v6, v5  }
0x60: {  	v6 =	vnsel vm3, $0x0, v56  }
0x61: {  	v58 =	vld [tilespmem:s20+$0x90];
	v5 =	vadd.f32 v6, v5  }
0x62: {  	v6 =	vnsel vm4, $0x0, v57  }
0x63: {  	v59 =	vld [tilespmem:s22+$0x90];
	v5 =	vadd.f32 v6, v5  }
0x64: {  	v6 =	vnsel vm5, $0x0, v7  }
0x65: {  	v5 =	vadd.f32 v6, v5  }
0x66: {  	v6 =	vnsel vm7, $0x0, v58  }
0x67: {  	v5 =	vadd.f32 v6, v5  }
0x68: {  	v6 =	vnsel vm6, $0x0, v59  }
0x69: {  	v5 =	vadd.f32 v6, v5;
	_ =	sdelay $0x1  }
0x6a: {  	[tilespmem:$0x3090] =	vst v5  }
0x6b: {  	v5 =	vld [tilespmem:s8+$0xA0];
	_ =	sdelay $0x1  }
0x6c: {  	v6 =	vld [tilespmem:s10+$0xA0];
	_ =	sdelay $0x1  }
0x6d: {  	v7 =	vld [tilespmem:s12+$0xA0]  }
0x6e: {  	v5 =	vadd.f32 $0.0e+00, v5  }
0x6f: {  	v60 =	vld [tilespmem:s14+$0xA0]  }
0x70: {  	v6 =	vnsel vm1, $0x0, v6;
	v5 =	vnsel vm0, $0x0, v5  }
0x71: {  	v61 =	vld [tilespmem:s16+$0xA0];
	v5 =	vadd.f32 v6, v5  }
0x72: {  	v6 =	vnsel vm2, $0x0, v7  }
0x73: {  	v7 =	vld [tilespmem:s18+$0xA0];
	v5 =	vadd.f32 v6, v5  }
0x74: {  	v6 =	vnsel vm3, $0x0, v60  }
0x75: {  	v62 =	vld [tilespmem:s20+$0xA0];
	v5 =	vadd.f32 v6, v5  }
0x76: {  	v6 =	vnsel vm4, $0x0, v61  }
0x77: {  	s28 =	simm.s32 $0x300;
	v63 =	vld [tilespmem:s22+$0xA0];
	v5 =	vadd.f32 v6, v5  }
0x78: {  	s25 =	ssub.s32 $0x2, s25;
	s28 =	simm.s32 @!p0 $0x7;
	v6 =	vnsel vm5, $0x0, v7  }
0x79: {  	s26 =	sadd.s32 s28, s26;
	s28 =	sshrl.u32 s25, $0x1;
	v5 =	vadd.f32 v6, v5  }
0x7a: {  	s25 =	ssub.s32 s25, s28;
	v6 =	vnsel vm7, $0x0, v62  }
0x7b: {  	s28 =	smax.u32 s25, $0x1;
	v5 =	vadd.f32 v6, v5  }
0x7c: {  	p0 =	sne.s32 s28, $0x1;
	v6 =	vnsel vm6, $0x0, v63  }
.Ltmp0:
0x7d: {  	s26 =	sshrl.u32 s26, $0x3;
	v5 =	vadd.f32 v6, v5;
	(pc) =	sbr.rel @!p0 .LBB2_2-.Ltmp0, $4  }
0x7e: {  	s24 =	sadd.s32 s26, s24  }
0x7f: {  	s25 =	simm.s32 $0x3080;
	s26 =	simm.s32 $0x3;
	s24 =	sadd.s32 $0x600, s24;
	[tilespmem:$0x30A0] =	vst v5  }
0x80: {  	[hbm4b:s24+s2] =	stream.linear.scatter [tilespmem:s25], [sflag:$0x3], $0x30, $0x38;
	[tilespmem:$0x3100] =	vst v63  }
0x81: {  	s28 =	sadd.s32 $0xFFFFFFFF, s28;
	_ =	swait.ge [sflag:s26], $0x30  }
.LBB2_1:
0x82: {  	p0 =	sne.s32 s28, $0x1;
	s28 =	sadd.s32 $0xFFFFFFFF, s28;
	[sflag:s26] =	ssyncset.done $0x0  }
0x83: {  	[sflag:s26] =	ssyncadd.s32 $0xFFFFFFD0  }
0x84: {  	[tilespmem:s2], [sflag:$0x1] =	stream.linear.gather [hbm4b:s3+s2], $0x80, $0x38;
	[tilespmem:$0x3100] =	vst v63  }
0x85: {  	_ = 	snop  }
0x86: {  	[tilespmem:s4], [sflag:$0x2] =	stream.linear.gather [hbm4b:s1+s2], $0x3000, $0x38;
	[tilespmem:$0x3100] =	vst v63  }
0x87: {  	_ =	swait.ge [sflag:s5], $0x80  }
0x88: {  	[sflag:s5] =	ssyncset.done $0x0  }
0x89: {  	[sflag:s5] =	ssyncadd.s32 $0xFFFFFF80  }
0x8a: {  	v5 =	vld [tilespmem:$0x0]  }
0x8b: {  	v6 =	vld [tilespmem:$0x10];
	_ =	sdelay $0x4  }
0x8c: {  	v5 =	vadd.f32 v6, v5;
	_ =	sdelay $0x1  }
0x8d: {  	v6 =	vperm.xlane v5, v0;
	_ =	sdelay $0x1  }
0x8e: {  	v6 =	vmax.f32 v5, v6  }
0x8f: {  	v7 =	vperm.xlane v6, v1;
	_ =	sdelay $0x1  }
0x90: {  	v6 =	vmax.f32 v6, v7  }
0x91: {  	v7 =	vperm.xlane v6, v2;
	_ =	sdelay $0x1  }
0x92: {  	v6 =	vmax.f32 v6, v7  }
0x93: {  	v7 =	vperm.xlane v6, v3;
	_ =	sdelay $0x1  }
0x94: {  	v6 =	vmax.f32 v6, v7  }
0x95: {  	vm0 =	veq.f32 v5, v6  }
0x96: {  	v6 =	vnsel vm0, $0x10, v4  }
0x97: {  	v7 =	vperm.xlane v6, v0;
	_ =	sdelay $0x1  }
0x98: {  	vm0 =	vlt.s32 v6, v7  }
0x99: {  	v6 =	vsel vm0, v6, v7  }
0x9a: {  	v7 =	vperm.xlane v6, v1;
	_ =	sdelay $0x1  }
0x9b: {  	vm0 =	vlt.s32 v6, v7  }
0x9c: {  	v6 =	vsel vm0, v6, v7  }
0x9d: {  	v7 =	vperm.xlane v6, v2;
	_ =	sdelay $0x1  }
0x9e: {  	vm0 =	vlt.s32 v6, v7  }
0x9f: {  	v6 =	vsel vm0, v6, v7  }
0xa0: {  	v7 =	vperm.xlane v6, v3;
	_ =	sdelay $0x1  }
0xa1: {  	vm0 =	vlt.s32 v6, v7  }
0xa2: {  	v6 =	vsel vm0, v6, v7  }
0xa3: {  	vm0 =	veq.s32 v6, v4  }
0xa4: {  	v5 =	vsel vm0, $0xFF800000, v5  }
0xa5: {  	v7 =	vperm.xlane v5, v0;
	_ =	sdelay $0x1  }
0xa6: {  	v7 =	vmax.f32 v5, v7  }
0xa7: {  	v8 =	vperm.xlane v7, v1;
	_ =	sdelay $0x1  }
0xa8: {  	v7 =	vmax.f32 v7, v8  }
0xa9: {  	v8 =	vperm.xlane v7, v2;
	_ =	sdelay $0x1  }
0xaa: {  	v7 =	vmax.f32 v7, v8  }
0xab: {  	v8 =	vperm.xlane v7, v3;
	_ =	sdelay $0x1  }
0xac: {  	v7 =	vmax.f32 v7, v8  }
0xad: {  	vm0 =	veq.f32 v5, v7  }
0xae: {  	v5 =	vnsel vm0, $0x10, v4  }
0xaf: {  	v7 =	vperm.xlane v5, v0;
	_ =	sdelay $0x1  }
0xb0: {  	vm0 =	vlt.s32 v5, v7  }
0xb1: {  	v5 =	vsel vm0, v5, v7  }
0xb2: {  	v7 =	vperm.xlane v5, v1;
	_ =	sdelay $0x1  }
0xb3: {  	vm0 =	vlt.s32 v5, v7  }
0xb4: {  	v5 =	vsel vm0, v5, v7;
	_ =	swait.ge [sflag:s7], $0x3000  }
0xb5: {  	v7 =	vperm.xlane v5, v2;
	[sflag:s7] =	ssyncset.done $0x0  }
0xb6: {  	[sflag:s7] =	ssyncadd.s32 $0xFFFFD000  }
0xb7: {  	vm0 =	vlt.s32 v5, v7;
	v8 =	vld [tilespmem:s9+$0x80]  }
0xb8: {  	v5 =	vsel vm0, v5, v7  }
0xb9: {  	vm4 =	veq.s32 v6, $0x7;
	vm0 =	veq.s32 v6, $0x1;
	v7 =	vperm.xlane v5, v3;
	v9 =	vld [tilespmem:s11+$0x80]  }
0xba: {  	vm6 =	veq.s32 v6, $0x4;
	vm2 =	veq.s32 v6, $0x5;
	vm8 =	veq.s32 v6, $0x6  }
0xbb: {  	vm3 =	veq.s32 v6, $0x2;
	vm7 =	veq.s32 v6, $0x3;
	vm1 =	vlt.s32 v5, v7;
	v10 =	vld [tilespmem:s13+$0x80]  }
0xbc: {  	v5 =	vsel vm1, v5, v7;
	vm1 =	veq.s32 v6, $0x0;
	v6 =	vadd.f32 $0.0e+00, v8  }
0xbd: {  	vm5 =	veq.s32 v5, $0x0;
	vm9 =	veq.s32 v5, $0x1;
	vm10 =	veq.s32 v5, $0x2;
	v7 =	vld [tilespmem:s15+$0x80]  }
0xbe: {  	vm1 =	vmor vm1, vm5;
	vm5 =	vmor vm0, vm9;
	vm0 =	vmor vm3, vm10  }
0xbf: {  	vm3 =	veq.s32 v5, $0x3;
	v6 =	vnsel vm1, $0x0, v6;
	v8 =	vnsel vm5, $0x0, v9;
	v9 =	vld [tilespmem:s17+$0x80]  }
0xc0: {  	vm3 =	vmor vm7, vm3;
	v6 =	vadd.f32 v8, v6;
	v8 =	vnsel vm0, $0x0, v10  }
0xc1: {  	vm9 =	veq.s32 v5, $0x5;
	vm10 =	veq.s32 v5, $0x6;
	vm7 =	veq.s32 v5, $0x4;
	v10 =	vld [tilespmem:s19+$0x80]  }
0xc2: {  	vm7 =	vmor vm6, vm7;
	v6 =	vadd.f32 v6, v8;
	v7 =	vnsel vm3, $0x0, v7  }
0xc3: {  	vm6 =	vmor vm2, vm9;
	vm2 =	vmor vm8, vm10;
	vm8 =	veq.s32 v5, $0x7;
	v8 =	vld [tilespmem:s21+$0x80]  }
0xc4: {  	vm4 =	vmor vm4, vm8;
	v5 =	vadd.f32 v6, v7;
	v6 =	vnsel vm7, $0x0, v9  }
0xc5: {  	v7 =	vld [tilespmem:s23+$0x80]  }
0xc6: {  	v5 =	vadd.f32 v5, v6;
	v6 =	vnsel vm6, $0x0, v10;
	_ =	sdelay $0x1  }
0xc7: {  	v5 =	vadd.f32 v5, v6;
	v6 =	vnsel vm2, $0x0, v8;
	_ =	sdelay $0x1  }
0xc8: {  	v5 =	vadd.f32 v5, v6;
	v6 =	vnsel vm4, $0x0, v7;
	_ =	sdelay $0x1  }
0xc9: {  	v5 =	vadd.f32 v5, v6;
	_ =	sdelay $0x1  }
0xca: {  	[tilespmem:$0x3080] =	vst v5  }
0xcb: {  	v5 =	vld [tilespmem:s8+$0x90]  }
0xcc: {  	v6 =	vld [tilespmem:s10+$0x90];
	_ =	sdelay $0x1  }
0xcd: {  	v7 =	vld [tilespmem:s12+$0x90];
	_ =	sdelay $0x1  }
0xce: {  	v5 =	vadd.f32 $0.0e+00, v5;
	v8 =	vld [tilespmem:s14+$0x90]  }
0xcf: {  	v6 =	vnsel vm5, $0x0, v6  }
0xd0: {  	v5 =	vnsel vm1, $0x0, v5;
	v9 =	vld [tilespmem:s16+$0x90]  }
0xd1: {  	v5 =	vadd.f32 v6, v5;
	v6 =	vnsel vm0, $0x0, v7  }
0xd2: {  	v7 =	vld [tilespmem:s18+$0x90]  }
0xd3: {  	v5 =	vadd.f32 v6, v5;
	v6 =	vnsel vm3, $0x0, v8  }
0xd4: {  	v8 =	vld [tilespmem:s20+$0x90]  }
0xd5: {  	v5 =	vadd.f32 v6, v5;
	v6 =	vnsel vm7, $0x0, v9  }
0xd6: {  	v9 =	vld [tilespmem:s22+$0x90]  }
0xd7: {  	v5 =	vadd.f32 v6, v5;
	v6 =	vnsel vm6, $0x0, v7;
	_ =	sdelay $0x1  }
0xd8: {  	v5 =	vadd.f32 v6, v5;
	v6 =	vnsel vm2, $0x0, v8;
	_ =	sdelay $0x1  }
0xd9: {  	v5 =	vadd.f32 v6, v5;
	v6 =	vnsel vm4, $0x0, v9;
	_ =	sdelay $0x1  }
0xda: {  	v5 =	vadd.f32 v6, v5;
	_ =	sdelay $0x1  }
0xdb: {  	[tilespmem:$0x3090] =	vst v5  }
0xdc: {  	v5 =	vld [tilespmem:s8+$0xA0]  }
0xdd: {  	v6 =	vld [tilespmem:s10+$0xA0];
	_ =	sdelay $0x1  }
0xde: {  	v7 =	vld [tilespmem:s12+$0xA0];
	_ =	sdelay $0x1  }
0xdf: {  	v5 =	vadd.f32 $0.0e+00, v5;
	v8 =	vld [tilespmem:s14+$0xA0]  }
0xe0: {  	v6 =	vnsel vm5, $0x0, v6  }
0xe1: {  	v5 =	vnsel vm1, $0x0, v5;
	v9 =	vld [tilespmem:s16+$0xA0]  }
0xe2: {  	v5 =	vadd.f32 v6, v5;
	v6 =	vnsel vm0, $0x0, v7  }
0xe3: {  	v7 =	vld [tilespmem:s18+$0xA0]  }
0xe4: {  	v5 =	vadd.f32 v6, v5;
	v6 =	vnsel vm3, $0x0, v8  }
0xe5: {  	v8 =	vld [tilespmem:s20+$0xA0]  }
0xe6: {  	v5 =	vadd.f32 v6, v5;
	v6 =	vnsel vm7, $0x0, v9  }
0xe7: {  	v9 =	vld [tilespmem:s22+$0xA0]  }
0xe8: {  	v5 =	vadd.f32 v6, v5;
	v6 =	vnsel vm6, $0x0, v7;
	_ =	sdelay $0x1  }
0xe9: {  	v5 =	vadd.f32 v6, v5;
	v6 =	vnsel vm2, $0x0, v8;
	_ =	sdelay $0x1  }
0xea: {  	v5 =	vadd.f32 v6, v5;
	v6 =	vnsel vm4, $0x0, v9;
	_ =	sdelay $0x1  }
.Ltmp1:
0xeb: {  	v5 =	vadd.f32 v6, v5;
	(pc) =	sbr.rel @p0 .LBB2_1-.Ltmp1, $4  }
0xec: {  	_ = 	snop  }
0xed: {  	[tilespmem:$0x30A0] =	vst v5  }
0xee: {  	[hbm4b:s24+s2] =	stream.linear.scatter [tilespmem:s25], [sflag:$0x3], $0x30, $0x38;
	[tilespmem:$0x3100] =	vst v63  }
0xef: {  	_ =	swait.ge [sflag:s26], $0x30  }
.LBB2_2:
0xf0: {  	[sflag:s26] =	ssyncset.done $0x0  }
0xf1: {  	[sflag:s26] =	ssyncadd.s32 $0xFFFFFFD0  }
0xf2: {  	_ =	sfence.sel $0x180000  }
0xf3: {  	[bflag:$0x0] =	sbarrier.arrive $0xFFFF  }
0xf4: {  	p0 =	sne.s32 s6, $0x0;
	_ =	strace $0x90000047  }
0xf5: {  	s0 =	sadd.s32 @!p0 $0x100000, s0;
	[bflag:$0x2] =	sbarrier.arrive $0xFFFF  }
0xf6: {  	[sflag:s0] =	ssyncadd.tile.s32 @!p0 $0x1;
	_ =	shalt  }
.Lfunc_end2:
_tile_overlayer_lowered:
.L_overlay_start_2:
0xf7: {  	(tag) =	ssettag $0x2  }
0xf8: {  	s0 =	rddreg [dreg:$0x0];
	s2 =	stileid.u32  }
0xf9: {  	s1 =	rddreg [dreg:$0x1];
	p0 =	sne.s32 s2, $0x0  }
0xfa: {  	s3 =	rddreg [dreg:$0x2];
	[bflag:$0x3] =	sbarrier.arrive $0xFFFF;
	s2 =	simm.s32 @!p0 $0x1C03  }
0xfb: {  	[timem:s3], [sflag:s2] =	dma.local @!p0 [hbm:s0], s1  }
0xfc: {  	s0 =	simm.s32 @!p0 $0x3  }
0xfd: {  	_ =	swait.ge @!p0 [sflag:s0], s1  }
0xfe: {  	s1 =	ssub.s32 @!p0 $0x0, s1;
	[sflag:s0] =	ssyncset.done @!p0 $0x0  }
0xff: {  	[sflag:s0] =	ssyncadd.s32 @!p0 s1  }
0x100: {  	[bflag:$0x3] =	sbarrier.arrive $0xFFFF  }
0x101: {  	_ =	shalt  }

</sc_bundles>
